<compile_context>
chip_gen: v7x
topology: tpu7x:2x2x1
jax: 0.10.2.dev20260603
libtpu: 0.0.44.dev20260713+nightly
codegen_flags: <defaults>
</compile_context>

<pallas_src>
import functools

import jax
import jax.numpy as jnp
from jax import lax
from jax.experimental import pallas as pl
from jax.experimental.pallas import tpu as pltpu
from jax.experimental.pallas import tpu_sc as plsc

N = 16384
L = 16
NS = 16
CHUNK = N // NS
IMASK = 0x7FFFFFFF
MSB = -(2**31)


def _f32key(x):
    i = plsc.bitcast(x, jnp.int32)
    return jnp.where(i >= 0, i, i ^ IMASK)


def _unkey_sq(kv):
    iv = jnp.where(kv >= 0, kv, kv ^ IMASK)
    xv = plsc.bitcast(iv, jnp.float32)
    return xv * xv


@functools.partial(
    pl.kernel,
    out_type=(jax.ShapeDtypeStruct((1,), jnp.float32),
              jax.ShapeDtypeStruct((1,), jnp.float32),
              jax.ShapeDtypeStruct((1,), jnp.float32)),
    mesh=plsc.VectorSubcoreMesh(core_axis_name="c", subcore_axis_name="s",
                                num_cores=1),
    compiler_params=pltpu.CompilerParams(needs_layout_passes=False,
                                         skip_device_barrier=True),
    scratch_types=[
        pltpu.VMEM((CHUNK,), jnp.float32),
        pltpu.VMEM((CHUNK,), jnp.float32),
        pltpu.VMEM((CHUNK,), jnp.float32),
        pltpu.VMEM((5 * L,), jnp.float32),
        pltpu.VMEM_SHARED((NS * 5 * L,), jnp.float32),
        pltpu.VMEM((NS * 5 * L,), jnp.float32),
        pltpu.VMEM((N,), jnp.float32),
        pltpu.VMEM((N,), jnp.float32),
        pltpu.VMEM((N,), jnp.float32),
        pltpu.VMEM((N,), jnp.int32),
        pltpu.VMEM((2 * L,), jnp.float32),
        pltpu.SemaphoreType.DMA,
        pltpu.SemaphoreType.DMA,
        pltpu.SemaphoreType.DMA,
    ],
)
def _sc_loss(p0_hbm, p1_hbm, gt_hbm, out_loss, out_pt, out_nopt,
             gt_v, p0_v, p1_v, part_v, part_sh, red_v,
             fgt_v, fp0_v, fp1_v, keys_v, res_v, sem0, sem1, sem2):
    c = lax.axis_index("c")
    s = lax.axis_index("s")
    base = s * CHUNK

    cp0 = pltpu.async_copy(gt_hbm.at[pl.ds(base, CHUNK)], gt_v, sem0)
    cp1 = pltpu.async_copy(p0_hbm.at[pl.ds(base, CHUNK)], p0_v, sem1)
    cp2 = pltpu.async_copy(p1_hbm.at[pl.ds(base, CHUNK)], p1_v, sem2)
    cp0.wait()
    cp1.wait()
    cp2.wait()

    zf = jnp.zeros((L,), jnp.float32)

    def p1_step(i, carry):
        cnt, pt0, pt1, sq0, sq1 = carry
        for u in range(4):
            off = (i * 4 + u) * L
            g = gt_v[pl.ds(off, L)]
            a = p0_v[pl.ds(off, L)]
            b = p1_v[pl.ds(off, L)]
            posf = jnp.where(g == 1.0, jnp.float32(1.0), jnp.float32(0.0))
            negf = jnp.float32(1.0) - posf
            da = a - jnp.float32(1.0)
            db = b - jnp.float32(1.0)
            na = a * negf
            nb = b * negf
            cnt = cnt + posf
            pt0 = pt0 + da * da * posf
            pt1 = pt1 + db * db * posf
            sq0 = sq0 + na * na
            sq1 = sq1 + nb * nb
        return (cnt, pt0, pt1, sq0, sq1)

    cnt, pt0, pt1, sq0, sq1 = lax.fori_loop(
        0, CHUNK // L // 4, p1_step, (zf, zf, zf, zf, zf))

    part_v[pl.ds(0 * L, L)] = cnt
    part_v[pl.ds(1 * L, L)] = pt0
    part_v[pl.ds(2 * L, L)] = pt1
    part_v[pl.ds(3 * L, L)] = sq0
    part_v[pl.ds(4 * L, L)] = sq1
    pltpu.sync_copy(part_v, part_sh.at[pl.ds(s * 5 * L, 5 * L)])
    plsc.subcore_barrier()

    @pl.when(s == 0)
    def _phase2():
        pltpu.sync_copy(part_sh, red_v)

        def red_step(i, carry):
            tcnt, tpt, tsq0, tsq1 = carry
            row = i * 5 * L
            tcnt = tcnt + red_v[pl.ds(row + 0 * L, L)]
            tpt = (tpt + red_v[pl.ds(row + 1 * L, L)]
                   + red_v[pl.ds(row + 2 * L, L)])
            tsq0 = tsq0 + red_v[pl.ds(row + 3 * L, L)]
            tsq1 = tsq1 + red_v[pl.ds(row + 4 * L, L)]
            return tcnt, tpt, tsq0, tsq1

        tcnt, tpt, tsq0, tsq1 = lax.fori_loop(
            0, NS, red_step, (zf, zf, zf, zf))

        num_pos = jnp.sum(tcnt)
        num_pos_i = num_pos.astype(jnp.int32)
        k = jnp.minimum(num_pos_i * 3, N)
        npd = jnp.maximum(num_pos, jnp.float32(1.0))
        pt_raw = jnp.sum(tpt)

        def fast_nopt():
            return jnp.sum(tsq0) + jnp.sum(tsq1)

        def slow_nopt():
            pltpu.sync_copy(gt_hbm.at[pl.ds(0, N)], fgt_v)
            pltpu.sync_copy(p0_hbm.at[pl.ds(0, N)], fp0_v)
            pltpu.sync_copy(p1_hbm.at[pl.ds(0, N)], fp1_v)

            def per_stack(pred_ref):
                def key_step(i, carry):
                    g = fgt_v[pl.ds(i * L, L)]
                    p = pred_ref[pl.ds(i * L, L)]
                    negf = jnp.where(g == 1.0, jnp.float32(0.0),
                                     jnp.float32(1.0))
                    keys_v[pl.ds(i * L, L)] = _f32key(p * negf)
                    return carry

                lax.fori_loop(0, N // L, key_step, jnp.int32(0))

                def bit_step(bi, prefix):
                    b = jnp.int32(31) - bi
                    trial = prefix | (jnp.int32(1) << b)
                    cand = trial ^ MSB

                    def cnt_step(i, acc):
                        kv = keys_v[pl.ds(i * L, L)]
                        return acc + jnp.where(kv >= cand, jnp.int32(1),
                                               jnp.int32(0))

                    acc = lax.fori_loop(0, N // L, cnt_step,
                                        jnp.zeros((L,), jnp.int32))
                    cnt_ge = jnp.sum(acc)
                    return jnp.where(cnt_ge >= k, trial, prefix)

                prefix = lax.fori_loop(0, 32, bit_step, jnp.int32(0))
                t = prefix ^ MSB

                def fin_step(i, carry):
                    acc_c, acc_s = carry
                    kv = keys_v[pl.ds(i * L, L)]
                    m = kv > t
                    sq = _unkey_sq(kv)
                    acc_c = acc_c + jnp.where(m, jnp.int32(1), jnp.int32(0))
                    acc_s = acc_s + jnp.where(m, sq, jnp.float32(0.0))
                    return acc_c, acc_s

                acc_c, acc_s = lax.fori_loop(
                    0, N // L, fin_step,
                    (jnp.zeros((L,), jnp.int32), zf))
                cnt_gt = jnp.sum(acc_c)
                sum_gt = jnp.sum(acc_s)
                tsq = jnp.max(_unkey_sq(jnp.full((L,), t, jnp.int32)))
                rem = k - cnt_gt
                tie = jnp.where(rem > 0, rem.astype(jnp.float32) * tsq,
                                jnp.float32(0.0))
                return sum_gt + tie

            return per_stack(fp0_v) + per_stack(fp1_v)

        nopt_raw = lax.cond(num_pos_i * 3 >= N, fast_nopt, slow_nopt)

        half = jnp.float32(0.5)
        iota = lax.broadcasted_iota(jnp.int32, (L,), 0)
        npd_vec = jnp.full((L,), npd, jnp.float32)
        numer0 = jnp.where(
            iota == 0, pt_raw + nopt_raw,
            jnp.where(iota == 8, pt_raw, jnp.float32(0.0)))
        numer1 = jnp.where(iota == 0, nopt_raw, jnp.float32(0.0))
        res_v[pl.ds(0, L)] = numer0 * half / npd_vec
        res_v[pl.ds(L, L)] = numer1 * half / npd_vec

        @pl.when(c == 0)
        def _write():
            pltpu.sync_copy(res_v.at[pl.ds(0, 1)], out_loss)
            pltpu.sync_copy(res_v.at[pl.ds(8, 1)], out_pt)
            pltpu.sync_copy(res_v.at[pl.ds(16, 1)], out_nopt)


def kernel(out_ct_s0, out_ct_s1, batch_ct):
    p0 = out_ct_s0.reshape(-1)
    p1 = out_ct_s1.reshape(-1)
    gt = batch_ct.reshape(-1)
    loss, ct_pt, ct_nopt = _sc_loss(p0, p1, gt)
    return (loss.reshape(()), ct_pt.reshape(()), ct_nopt.reshape(()))

# --- scband reference (transcript-rebuilt; emitter-appended) ---
"""Pipeline reference for scband-plnres-ctdet-loss-83296595739355 (READ-ONLY COPY).

The authoritative reference and input builder live on the scoring server;
editing this copy changes nothing except your own understanding.
"""

import jax, jax.numpy as jnp
import numpy as np

NUM_STACKS = 2
CT_PT_WEIGHT = 1.0
CT_NOPT_WEIGHT = 1.0


def setup_inputs(seed: int = 0) -> dict:
    key = jax.random.key(seed)
    k0, k1, k2 = jax.random.split(key, 3)
    out_ct_s0 = jax.random.normal(k0, (16, 128, 128, 1), dtype=jnp.float32)
    out_ct_s1 = jax.random.normal(k1, (16, 128, 128, 1), dtype=jnp.float32)
    batch_ct = jax.random.randint(k2, (16, 128, 128), 0, 2).astype(jnp.float32)
    return {"out_ct_s0": out_ct_s0, "out_ct_s1": out_ct_s1, "batch_ct": batch_ct}


def reference(out_ct_s0, out_ct_s1, batch_ct):
    # Faithful translation of plnresCtdetLoss.forward.
    # NOTE: the original inner loop is `for i in range(len(output))` where
    # `output` is a dict with a single key 'ct', so len(output) == 1 and only
    # batch element i=0 is used, per stack. We reproduce that exactly.
    gt = batch_ct[0].reshape(-1)
    pos_inds = (gt == 1.0).astype(jnp.float32)
    neg_inds = (gt < 1.0).astype(jnp.float32)
    num_pos = pos_inds.sum()
    num_pos_div = jnp.where(num_pos > 0, num_pos, 1.0)
    num_neg = num_pos.astype(jnp.int32) * 3
    neg_mask = (jnp.arange(gt.shape[0]) < num_neg).astype(jnp.float32)
    ct_pt_loss = 0.0
    ct_nopt_loss = 0.0
    for out_ct in (out_ct_s0, out_ct_s1):
        pred = out_ct[:, :, :, 0][0].reshape(-1)
        pred_neg = neg_inds * pred
        pred_neg_sorted = jnp.sort(pred_neg)[::-1]  # descending sort
        ct_pt_loss = ct_pt_loss + ((pred - 1.0) ** 2 * pos_inds).sum() / NUM_STACKS / num_pos_div
        ct_nopt_loss = ct_nopt_loss + (pred_neg_sorted ** 2 * neg_mask).sum() / NUM_STACKS / num_pos_div
    ct_exist_loss = CT_PT_WEIGHT * ct_pt_loss + CT_NOPT_WEIGHT * ct_nopt_loss
    loss = ct_exist_loss
    return (loss, ct_pt_loss, ct_nopt_loss)

if __name__ == "__main__":
    import jax
    _d = setup_inputs()
    print(jax.jit(kernel)(*tuple(_d.values())))

</pallas_src>

<mosaic_0001>
#map = affine_map<(d0, d1) -> (0)>
module attributes {stable_mosaic.version = 14 : i64} {
  func.func @_sc_loss(%arg0: i32, %arg1: i32, %arg2: memref<262144xf32, #tpu.memory_space<hbm>>, %arg3: memref<262144xf32, #tpu.memory_space<hbm>>, %arg4: memref<262144xf32, #tpu.memory_space<hbm>>, %arg5: memref<1xf32, #tpu.memory_space<hbm>>, %arg6: memref<1xf32, #tpu.memory_space<hbm>>, %arg7: memref<1xf32, #tpu.memory_space<hbm>>, %arg8: memref<1024xf32, #tpu.memory_space<vmem>>, %arg9: memref<1024xf32, #tpu.memory_space<vmem>>, %arg10: memref<1024xf32, #tpu.memory_space<vmem>>, %arg11: memref<80xf32, #tpu.memory_space<vmem>>, %arg12: memref<1280xf32, #tpu.memory_space<vmem_shared>>, %arg13: memref<1280xf32, #tpu.memory_space<vmem>>, %arg14: memref<16384xf32, #tpu.memory_space<vmem>>, %arg15: memref<16384xf32, #tpu.memory_space<vmem>>, %arg16: memref<16384xf32, #tpu.memory_space<vmem>>, %arg17: memref<16384xi32, #tpu.memory_space<vmem>>, %arg18: memref<32xf32, #tpu.memory_space<vmem>>, %arg19: memref<!tpu.dma_semaphore, #tpu.memory_space<semaphore_mem>>, %arg20: memref<!tpu.dma_semaphore, #tpu.memory_space<semaphore_mem>>, %arg21: memref<!tpu.dma_semaphore, #tpu.memory_space<semaphore_mem>>) attributes {dimension_semantics = [#tpu.dimension_semantics<core_parallel>, #tpu.dimension_semantics<subcore_parallel>], iteration_bounds = array<i64: 1, 16>, scalar_prefetch = 0 : i64, scratch_operands = 14 : i64, tpu.core_type = #tpu.core_type<sc_vector_subcore>, window_params = [{transform_indices = #map}, {transform_indices = #map}, {transform_indices = #map}, {transform_indices = #map}, {transform_indices = #map}, {transform_indices = #map}]} {
    %mul3A = arith.constant 1024 : i32
    %mul3A_0 = arith.muli %arg1, %mul3A : i32
    %dma_start3A = tpu.memref_slice %arg4[%mul3A_0] : memref<262144xf32, #tpu.memory_space<hbm>> -> memref<1024xf32, #tpu.memory_space<hbm>>
    %dma_start3A_1 = tpu.memref_slice %arg4[%mul3A_0] : memref<262144xf32, #tpu.memory_space<hbm>> -> memref<1024xf32, #tpu.memory_space<hbm>>
    tpu.enqueue_dma source(%dma_start3A_1 : memref<1024xf32, #tpu.memory_space<hbm>>) target(%arg8 : memref<1024xf32, #tpu.memory_space<vmem>>) target_semaphore(%arg19 : memref<!tpu.dma_semaphore, #tpu.memory_space<semaphore_mem>>)
    %dma_start3A_2 = tpu.memref_slice %arg2[%mul3A_0] : memref<262144xf32, #tpu.memory_space<hbm>> -> memref<1024xf32, #tpu.memory_space<hbm>>
    %dma_start3A_3 = tpu.memref_slice %arg2[%mul3A_0] : memref<262144xf32, #tpu.memory_space<hbm>> -> memref<1024xf32, #tpu.memory_space<hbm>>
    tpu.enqueue_dma source(%dma_start3A_3 : memref<1024xf32, #tpu.memory_space<hbm>>) target(%arg9 : memref<1024xf32, #tpu.memory_space<vmem>>) target_semaphore(%arg20 : memref<!tpu.dma_semaphore, #tpu.memory_space<semaphore_mem>>)
    %dma_start3A_4 = tpu.memref_slice %arg3[%mul3A_0] : memref<262144xf32, #tpu.memory_space<hbm>> -> memref<1024xf32, #tpu.memory_space<hbm>>
    %dma_start3A_5 = tpu.memref_slice %arg3[%mul3A_0] : memref<262144xf32, #tpu.memory_space<hbm>> -> memref<1024xf32, #tpu.memory_space<hbm>>
    tpu.enqueue_dma source(%dma_start3A_5 : memref<1024xf32, #tpu.memory_space<hbm>>) target(%arg10 : memref<1024xf32, #tpu.memory_space<vmem>>) target_semaphore(%arg21 : memref<!tpu.dma_semaphore, #tpu.memory_space<semaphore_mem>>)
    %dma_wait3A = tpu.memref_slice %arg4[%mul3A_0] : memref<262144xf32, #tpu.memory_space<hbm>> -> memref<1024xf32, #tpu.memory_space<hbm>>
    %dma_wait3A_6 = tpu.memref_slice %arg4[%mul3A_0] : memref<262144xf32, #tpu.memory_space<hbm>> -> memref<1024xf32, #tpu.memory_space<hbm>>
    tpu.wait_dma2 semaphore(%arg19 : memref<!tpu.dma_semaphore, #tpu.memory_space<semaphore_mem>>) src(%dma_wait3A_6 : memref<1024xf32, #tpu.memory_space<hbm>>) dst(%arg8 : memref<1024xf32, #tpu.memory_space<vmem>>)
    %dma_wait3A_7 = tpu.memref_slice %arg2[%mul3A_0] : memref<262144xf32, #tpu.memory_space<hbm>> -> memref<1024xf32, #tpu.memory_space<hbm>>
    %dma_wait3A_8 = tpu.memref_slice %arg2[%mul3A_0] : memref<262144xf32, #tpu.memory_space<hbm>> -> memref<1024xf32, #tpu.memory_space<hbm>>
    tpu.wait_dma2 semaphore(%arg20 : memref<!tpu.dma_semaphore, #tpu.memory_space<semaphore_mem>>) src(%dma_wait3A_8 : memref<1024xf32, #tpu.memory_space<hbm>>) dst(%arg9 : memref<1024xf32, #tpu.memory_space<vmem>>)
    %dma_wait3A_9 = tpu.memref_slice %arg3[%mul3A_0] : memref<262144xf32, #tpu.memory_space<hbm>> -> memref<1024xf32, #tpu.memory_space<hbm>>
    %dma_wait3A_10 = tpu.memref_slice %arg3[%mul3A_0] : memref<262144xf32, #tpu.memory_space<hbm>> -> memref<1024xf32, #tpu.memory_space<hbm>>
    tpu.wait_dma2 semaphore(%arg21 : memref<!tpu.dma_semaphore, #tpu.memory_space<semaphore_mem>>) src(%dma_wait3A_10 : memref<1024xf32, #tpu.memory_space<hbm>>) dst(%arg10 : memref<1024xf32, #tpu.memory_space<vmem>>)
    %broadcast_in_dim3A = arith.constant 0.000000e+00 : f32
    %broadcast_in_dim3A_11 = vector.broadcast %broadcast_in_dim3A : f32 to vector<16xf32>
    %scan3A = arith.constant 0 : i32
    %scan3A_12 = arith.constant 16 : i32
    %scan3A_13 = arith.addi %scan3A, %scan3A_12 : i32
    %scan3A_14 = arith.constant 1 : i32
    %scan3A_15:5 = scf.for %scan3A_32 = %scan3A to %scan3A_13 step %scan3A_14 iter_args(%scan3A_33 = %broadcast_in_dim3A_11, %scan3A_34 = %broadcast_in_dim3A_11, %scan3A_35 = %broadcast_in_dim3A_11, %scan3A_36 = %broadcast_in_dim3A_11, %scan3A_37 = %broadcast_in_dim3A_11) -> (vector<16xf32>, vector<16xf32>, vector<16xf32>, vector<16xf32>, vector<16xf32>)  : i32 {
      %mul3A_38 = arith.constant 4 : i32
      %mul3A_39 = arith.muli %scan3A_32, %mul3A_38 : i32
      %add3A = arith.constant 0 : i32
      %add3A_40 = arith.addi %mul3A_39, %add3A : i32
      %mul3A_41 = arith.constant 16 : i32
      %mul3A_42 = arith.muli %add3A_40, %mul3A_41 : i32
      %get3A = arith.index_cast %mul3A_42 : i32 to index
      %get3A_43 = tpu.vector_load %arg8[%get3A] {strides = array<i32>} : memref<1024xf32, #tpu.memory_space<vmem>>, vector<16xf32>,
      %get3A_44 = arith.index_cast %mul3A_42 : i32 to index
      %get3A_45 = tpu.vector_load %arg9[%get3A_44] {strides = array<i32>} : memref<1024xf32, #tpu.memory_space<vmem>>, vector<16xf32>,
      %get3A_46 = arith.index_cast %mul3A_42 : i32 to index
      %get3A_47 = tpu.vector_load %arg10[%get3A_46] {strides = array<i32>} : memref<1024xf32, #tpu.memory_space<vmem>>, vector<16xf32>,
      %eq3A_48 = arith.constant 1.000000e+00 : f32
      %eq3A_49 = vector.broadcast %eq3A_48 : f32 to vector<16xf32>
      %eq3A_50 = arith.cmpf oeq, %get3A_43, %eq3A_49 : vector<16xf32>
      %jit3A = arith.constant 1.000000e+00 : f32
      %jit3A_51 = arith.constant 0.000000e+00 : f32
      %broadcast_in_dim3A_52 = vector.broadcast %jit3A : f32 to vector<16xf32>
      %broadcast_in_dim3A_53 = vector.broadcast %jit3A_51 : f32 to vector<16xf32>
      %select_n3A = arith.select %eq3A_50, %broadcast_in_dim3A_52, %broadcast_in_dim3A_53 : vector<16xi1>, vector<16xf32>
      %sub3A = arith.constant 1.000000e+00 : f32
      %sub3A_54 = vector.broadcast %sub3A : f32 to vector<16xf32>
      %sub3A_55 = arith.subf %sub3A_54, %select_n3A : vector<16xf32>
      %sub3A_56 = arith.constant 1.000000e+00 : f32
      %sub3A_57 = vector.broadcast %sub3A_56 : f32 to vector<16xf32>
      %sub3A_58 = arith.subf %get3A_45, %sub3A_57 : vector<16xf32>
      %sub3A_59 = arith.constant 1.000000e+00 : f32
      %sub3A_60 = vector.broadcast %sub3A_59 : f32 to vector<16xf32>
      %sub3A_61 = arith.subf %get3A_47, %sub3A_60 : vector<16xf32>
      %mul3A_62 = arith.mulf %get3A_45, %sub3A_55 : vector<16xf32>
      %mul3A_63 = arith.mulf %get3A_47, %sub3A_55 : vector<16xf32>
      %add3A_64 = arith.addf %scan3A_33, %select_n3A : vector<16xf32>
      %mul3A_65 = arith.mulf %sub3A_58, %sub3A_58 : vector<16xf32>
      %mul3A_66 = arith.mulf %mul3A_65, %select_n3A : vector<16xf32>
      %add3A_67 = arith.addf %scan3A_34, %mul3A_66 : vector<16xf32>
      %mul3A_68 = arith.mulf %sub3A_61, %sub3A_61 : vector<16xf32>
      %mul3A_69 = arith.mulf %mul3A_68, %select_n3A : vector<16xf32>
      %add3A_70 = arith.addf %scan3A_35, %mul3A_69 : vector<16xf32>
      %mul3A_71 = arith.mulf %mul3A_62, %mul3A_62 : vector<16xf32>
      %add3A_72 = arith.addf %scan3A_36, %mul3A_71 : vector<16xf32>
      %mul3A_73 = arith.mulf %mul3A_63, %mul3A_63 : vector<16xf32>
      %add3A_74 = arith.addf %scan3A_37, %mul3A_73 : vector<16xf32>
      %mul3A_75 = arith.constant 4 : i32
      %mul3A_76 = arith.muli %scan3A_32, %mul3A_75 : i32
      %add3A_77 = arith.constant 1 : i32
      %add3A_78 = arith.addi %mul3A_76, %add3A_77 : i32
      %mul3A_79 = arith.constant 16 : i32
      %mul3A_80 = arith.muli %add3A_78, %mul3A_79 : i32
      %get3A_81 = arith.index_cast %mul3A_80 : i32 to index
      %get3A_82 = tpu.vector_load %arg8[%get3A_81] {strides = array<i32>} : memref<1024xf32, #tpu.memory_space<vmem>>, vector<16xf32>,
      %get3A_83 = arith.index_cast %mul3A_80 : i32 to index
      %get3A_84 = tpu.vector_load %arg9[%get3A_83] {strides = array<i32>} : memref<1024xf32, #tpu.memory_space<vmem>>, vector<16xf32>,
      %get3A_85 = arith.index_cast %mul3A_80 : i32 to index
      %get3A_86 = tpu.vector_load %arg10[%get3A_85] {strides = array<i32>} : memref<1024xf32, #tpu.memory_space<vmem>>, vector<16xf32>,
      %eq3A_87 = arith.constant 1.000000e+00 : f32
      %eq3A_88 = vector.broadcast %eq3A_87 : f32 to vector<16xf32>
      %eq3A_89 = arith.cmpf oeq, %get3A_82, %eq3A_88 : vector<16xf32>
      %jit3A_90 = arith.constant 1.000000e+00 : f32
      %jit3A_91 = arith.constant 0.000000e+00 : f32
      %broadcast_in_dim3A_92 = vector.broadcast %jit3A_90 : f32 to vector<16xf32>
      %broadcast_in_dim3A_93 = vector.broadcast %jit3A_91 : f32 to vector<16xf32>
      %select_n3A_94 = arith.select %eq3A_89, %broadcast_in_dim3A_92, %broadcast_in_dim3A_93 : vector<16xi1>, vector<16xf32>
      %sub3A_95 = arith.constant 1.000000e+00 : f32
      %sub3A_96 = vector.broadcast %sub3A_95 : f32 to vector<16xf32>
      %sub3A_97 = arith.subf %sub3A_96, %select_n3A_94 : vector<16xf32>
      %sub3A_98 = arith.constant 1.000000e+00 : f32
      %sub3A_99 = vector.broadcast %sub3A_98 : f32 to vector<16xf32>
      %sub3A_100 = arith.subf %get3A_84, %sub3A_99 : vector<16xf32>
      %sub3A_101 = arith.constant 1.000000e+00 : f32
      %sub3A_102 = vector.broadcast %sub3A_101 : f32 to vector<16xf32>
      %sub3A_103 = arith.subf %get3A_86, %sub3A_102 : vector<16xf32>
      %mul3A_104 = arith.mulf %get3A_84, %sub3A_97 : vector<16xf32>
      %mul3A_105 = arith.mulf %get3A_86, %sub3A_97 : vector<16xf32>
      %add3A_106 = arith.addf %add3A_64, %select_n3A_94 : vector<16xf32>
      %mul3A_107 = arith.mulf %sub3A_100, %sub3A_100 : vector<16xf32>
      %mul3A_108 = arith.mulf %mul3A_107, %select_n3A_94 : vector<16xf32>
      %add3A_109 = arith.addf %add3A_67, %mul3A_108 : vector<16xf32>
      %mul3A_110 = arith.mulf %sub3A_103, %sub3A_103 : vector<16xf32>
      %mul3A_111 = arith.mulf %mul3A_110, %select_n3A_94 : vector<16xf32>
      %add3A_112 = arith.addf %add3A_70, %mul3A_111 : vector<16xf32>
      %mul3A_113 = arith.mulf %mul3A_104, %mul3A_104 : vector<16xf32>
      %add3A_114 = arith.addf %add3A_72, %mul3A_113 : vector<16xf32>
      %mul3A_115 = arith.mulf %mul3A_105, %mul3A_105 : vector<16xf32>
      %add3A_116 = arith.addf %add3A_74, %mul3A_115 : vector<16xf32>
      %mul3A_117 = arith.constant 4 : i32
      %mul3A_118 = arith.muli %scan3A_32, %mul3A_117 : i32
      %add3A_119 = arith.constant 2 : i32
      %add3A_120 = arith.addi %mul3A_118, %add3A_119 : i32
      %mul3A_121 = arith.constant 16 : i32
      %mul3A_122 = arith.muli %add3A_120, %mul3A_121 : i32
      %get3A_123 = arith.index_cast %mul3A_122 : i32 to index
      %get3A_124 = tpu.vector_load %arg8[%get3A_123] {strides = array<i32>} : memref<1024xf32, #tpu.memory_space<vmem>>, vector<16xf32>,
      %get3A_125 = arith.index_cast %mul3A_122 : i32 to index
      %get3A_126 = tpu.vector_load %arg9[%get3A_125] {strides = array<i32>} : memref<1024xf32, #tpu.memory_space<vmem>>, vector<16xf32>,
      %get3A_127 = arith.index_cast %mul3A_122 : i32 to index
      %get3A_128 = tpu.vector_load %arg10[%get3A_127] {strides = array<i32>} : memref<1024xf32, #tpu.memory_space<vmem>>, vector<16xf32>,
      %eq3A_129 = arith.constant 1.000000e+00 : f32
      %eq3A_130 = vector.broadcast %eq3A_129 : f32 to vector<16xf32>
      %eq3A_131 = arith.cmpf oeq, %get3A_124, %eq3A_130 : vector<16xf32>
      %jit3A_132 = arith.constant 1.000000e+00 : f32
      %jit3A_133 = arith.constant 0.000000e+00 : f32
      %broadcast_in_dim3A_134 = vector.broadcast %jit3A_132 : f32 to vector<16xf32>
      %broadcast_in_dim3A_135 = vector.broadcast %jit3A_133 : f32 to vector<16xf32>
      %select_n3A_136 = arith.select %eq3A_131, %broadcast_in_dim3A_134, %broadcast_in_dim3A_135 : vector<16xi1>, vector<16xf32>
      %sub3A_137 = arith.constant 1.000000e+00 : f32
      %sub3A_138 = vector.broadcast %sub3A_137 : f32 to vector<16xf32>
      %sub3A_139 = arith.subf %sub3A_138, %select_n3A_136 : vector<16xf32>
      %sub3A_140 = arith.constant 1.000000e+00 : f32
      %sub3A_141 = vector.broadcast %sub3A_140 : f32 to vector<16xf32>
      %sub3A_142 = arith.subf %get3A_126, %sub3A_141 : vector<16xf32>
      %sub3A_143 = arith.constant 1.000000e+00 : f32
      %sub3A_144 = vector.broadcast %sub3A_143 : f32 to vector<16xf32>
      %sub3A_145 = arith.subf %get3A_128, %sub3A_144 : vector<16xf32>
      %mul3A_146 = arith.mulf %get3A_126, %sub3A_139 : vector<16xf32>
      %mul3A_147 = arith.mulf %get3A_128, %sub3A_139 : vector<16xf32>
      %add3A_148 = arith.addf %add3A_106, %select_n3A_136 : vector<16xf32>
      %mul3A_149 = arith.mulf %sub3A_142, %sub3A_142 : vector<16xf32>
      %mul3A_150 = arith.mulf %mul3A_149, %select_n3A_136 : vector<16xf32>
      %add3A_151 = arith.addf %add3A_109, %mul3A_150 : vector<16xf32>
      %mul3A_152 = arith.mulf %sub3A_145, %sub3A_145 : vector<16xf32>
      %mul3A_153 = arith.mulf %mul3A_152, %select_n3A_136 : vector<16xf32>
      %add3A_154 = arith.addf %add3A_112, %mul3A_153 : vector<16xf32>
      %mul3A_155 = arith.mulf %mul3A_146, %mul3A_146 : vector<16xf32>
      %add3A_156 = arith.addf %add3A_114, %mul3A_155 : vector<16xf32>
      %mul3A_157 = arith.mulf %mul3A_147, %mul3A_147 : vector<16xf32>
      %add3A_158 = arith.addf %add3A_116, %mul3A_157 : vector<16xf32>
      %mul3A_159 = arith.constant 4 : i32
      %mul3A_160 = arith.muli %scan3A_32, %mul3A_159 : i32
      %add3A_161 = arith.constant 3 : i32
      %add3A_162 = arith.addi %mul3A_160, %add3A_161 : i32
      %mul3A_163 = arith.constant 16 : i32
      %mul3A_164 = arith.muli %add3A_162, %mul3A_163 : i32
      %get3A_165 = arith.index_cast %mul3A_164 : i32 to index
      %get3A_166 = tpu.vector_load %arg8[%get3A_165] {strides = array<i32>} : memref<1024xf32, #tpu.memory_space<vmem>>, vector<16xf32>,
      %get3A_167 = arith.index_cast %mul3A_164 : i32 to index
      %get3A_168 = tpu.vector_load %arg9[%get3A_167] {strides = array<i32>} : memref<1024xf32, #tpu.memory_space<vmem>>, vector<16xf32>,
      %get3A_169 = arith.index_cast %mul3A_164 : i32 to index
      %get3A_170 = tpu.vector_load %arg10[%get3A_169] {strides = array<i32>} : memref<1024xf32, #tpu.memory_space<vmem>>, vector<16xf32>,
      %eq3A_171 = arith.constant 1.000000e+00 : f32
      %eq3A_172 = vector.broadcast %eq3A_171 : f32 to vector<16xf32>
      %eq3A_173 = arith.cmpf oeq, %get3A_166, %eq3A_172 : vector<16xf32>
      %jit3A_174 = arith.constant 1.000000e+00 : f32
      %jit3A_175 = arith.constant 0.000000e+00 : f32
      %broadcast_in_dim3A_176 = vector.broadcast %jit3A_174 : f32 to vector<16xf32>
      %broadcast_in_dim3A_177 = vector.broadcast %jit3A_175 : f32 to vector<16xf32>
      %select_n3A_178 = arith.select %eq3A_173, %broadcast_in_dim3A_176, %broadcast_in_dim3A_177 : vector<16xi1>, vector<16xf32>
      %sub3A_179 = arith.constant 1.000000e+00 : f32
      %sub3A_180 = vector.broadcast %sub3A_179 : f32 to vector<16xf32>
      %sub3A_181 = arith.subf %sub3A_180, %select_n3A_178 : vector<16xf32>
      %sub3A_182 = arith.constant 1.000000e+00 : f32
      %sub3A_183 = vector.broadcast %sub3A_182 : f32 to vector<16xf32>
      %sub3A_184 = arith.subf %get3A_168, %sub3A_183 : vector<16xf32>
      %sub3A_185 = arith.constant 1.000000e+00 : f32
      %sub3A_186 = vector.broadcast %sub3A_185 : f32 to vector<16xf32>
      %sub3A_187 = arith.subf %get3A_170, %sub3A_186 : vector<16xf32>
      %mul3A_188 = arith.mulf %get3A_168, %sub3A_181 : vector<16xf32>
      %mul3A_189 = arith.mulf %get3A_170, %sub3A_181 : vector<16xf32>
      %add3A_190 = arith.addf %add3A_148, %select_n3A_178 : vector<16xf32>
      %mul3A_191 = arith.mulf %sub3A_184, %sub3A_184 : vector<16xf32>
      %mul3A_192 = arith.mulf %mul3A_191, %select_n3A_178 : vector<16xf32>
      %add3A_193 = arith.addf %add3A_151, %mul3A_192 : vector<16xf32>
      %mul3A_194 = arith.mulf %sub3A_187, %sub3A_187 : vector<16xf32>
      %mul3A_195 = arith.mulf %mul3A_194, %select_n3A_178 : vector<16xf32>
      %add3A_196 = arith.addf %add3A_154, %mul3A_195 : vector<16xf32>
      %mul3A_197 = arith.mulf %mul3A_188, %mul3A_188 : vector<16xf32>
      %add3A_198 = arith.addf %add3A_156, %mul3A_197 : vector<16xf32>
      %mul3A_199 = arith.mulf %mul3A_189, %mul3A_189 : vector<16xf32>
      %add3A_200 = arith.addf %add3A_158, %mul3A_199 : vector<16xf32>
      scf.yield %add3A_190, %add3A_193, %add3A_196, %add3A_198, %add3A_200 : vector<16xf32>, vector<16xf32>, vector<16xf32>, vector<16xf32>, vector<16xf32>
    }
    %scan3A_16 = arith.constant 16 : i32
    %swap3A = arith.constant 0 : index
    %swap3A_17 = tpu.vector_load %arg11[%swap3A] {strides = array<i32>} : memref<80xf32, #tpu.memory_space<vmem>>, vector<16xf32>,
    tpu.vector_store %arg11[%swap3A], %scan3A_15#0 {strides = array<i32>} : memref<80xf32, #tpu.memory_space<vmem>>, vector<16xf32>,
    %swap3A_18 = arith.constant 16 : index
    %swap3A_19 = tpu.vector_load %arg11[%swap3A_18] {strides = array<i32>} : memref<80xf32, #tpu.memory_space<vmem>>, vector<16xf32>,
    tpu.vector_store %arg11[%swap3A_18], %scan3A_15#1 {strides = array<i32>} : memref<80xf32, #tpu.memory_space<vmem>>, vector<16xf32>,
    %swap3A_20 = arith.constant 32 : index
    %swap3A_21 = tpu.vector_load %arg11[%swap3A_20] {strides = array<i32>} : memref<80xf32, #tpu.memory_space<vmem>>, vector<16xf32>,
    tpu.vector_store %arg11[%swap3A_20], %scan3A_15#2 {strides = array<i32>} : memref<80xf32, #tpu.memory_space<vmem>>, vector<16xf32>,
    %swap3A_22 = arith.constant 48 : index
    %swap3A_23 = tpu.vector_load %arg11[%swap3A_22] {strides = array<i32>} : memref<80xf32, #tpu.memory_space<vmem>>, vector<16xf32>,
    tpu.vector_store %arg11[%swap3A_22], %scan3A_15#3 {strides = array<i32>} : memref<80xf32, #tpu.memory_space<vmem>>, vector<16xf32>,
    %swap3A_24 = arith.constant 64 : index
    %swap3A_25 = tpu.vector_load %arg11[%swap3A_24] {strides = array<i32>} : memref<80xf32, #tpu.memory_space<vmem>>, vector<16xf32>,
    tpu.vector_store %arg11[%swap3A_24], %scan3A_15#4 {strides = array<i32>} : memref<80xf32, #tpu.memory_space<vmem>>, vector<16xf32>,
    %mul3A_26 = arith.constant 5 : i32
    %mul3A_27 = arith.muli %arg1, %mul3A_26 : i32
    %mul3A_28 = arith.constant 16 : i32
    %mul3A_29 = arith.muli %mul3A_27, %mul3A_28 : i32
    "tpu.region"() ({
      %run_scoped3A = tpu.sem_alloc : memref<!tpu.dma_semaphore, #tpu.memory_space<semaphore_mem>>
      %dma_start3A_32 = tpu.memref_slice %arg12[%mul3A_29] : memref<1280xf32, #tpu.memory_space<vmem_shared>> -> memref<80xf32, #tpu.memory_space<vmem_shared>>
      %dma_start3A_33 = tpu.memref_slice %arg12[%mul3A_29] : memref<1280xf32, #tpu.memory_space<vmem_shared>> -> memref<80xf32, #tpu.memory_space<vmem_shared>>
      tpu.enqueue_dma source(%arg11 : memref<80xf32, #tpu.memory_space<vmem>>) target(%dma_start3A_33 : memref<80xf32, #tpu.memory_space<vmem_shared>>) target_semaphore(%run_scoped3A : memref<!tpu.dma_semaphore, #tpu.memory_space<semaphore_mem>>)
      %dma_wait3A_34 = tpu.memref_slice %arg12[%mul3A_29] : memref<1280xf32, #tpu.memory_space<vmem_shared>> -> memref<80xf32, #tpu.memory_space<vmem_shared>>
      %dma_wait3A_35 = tpu.memref_slice %arg12[%mul3A_29] : memref<1280xf32, #tpu.memory_space<vmem_shared>> -> memref<80xf32, #tpu.memory_space<vmem_shared>>
      tpu.wait_dma2 semaphore(%run_scoped3A : memref<!tpu.dma_semaphore, #tpu.memory_space<semaphore_mem>>) src(%arg11 : memref<80xf32, #tpu.memory_space<vmem>>) dst(%dma_wait3A_35 : memref<80xf32, #tpu.memory_space<vmem_shared>>)
      tpu.yield
    }) : () -> ()
    %barrier3A = arith.constant 0 : index
    tpu.barrier barrier_id(%barrier3A)
    %eq3A = arith.constant 0 : i32
    %eq3A_30 = arith.cmpi eq, %arg1, %eq3A : i32
    %convert_element_type3A = arith.extui %eq3A_30 : i1 to i32
    %cond3A = arith.constant 0 : i32
    %cond3A_31 = arith.cmpi ne, %convert_element_type3A, %cond3A : i32
    scf.if %cond3A_31 {
      "tpu.region"() ({
        %run_scoped3A = tpu.sem_alloc : memref<!tpu.dma_semaphore, #tpu.memory_space<semaphore_mem>>
        tpu.enqueue_dma source(%arg12 : memref<1280xf32, #tpu.memory_space<vmem_shared>>) target(%arg13 : memref<1280xf32, #tpu.memory_space<vmem>>) target_semaphore(%run_scoped3A : memref<!tpu.dma_semaphore, #tpu.memory_space<semaphore_mem>>)
        tpu.wait_dma2 semaphore(%run_scoped3A : memref<!tpu.dma_semaphore, #tpu.memory_space<semaphore_mem>>) src(%arg12 : memref<1280xf32, #tpu.memory_space<vmem_shared>>) dst(%arg13 : memref<1280xf32, #tpu.memory_space<vmem>>)
        tpu.yield
      }) : () -> ()
      %scan3A_32 = arith.constant 0 : i32
      %scan3A_33 = arith.constant 16 : i32
      %scan3A_34 = arith.addi %scan3A_32, %scan3A_33 : i32
      %scan3A_35 = arith.constant 1 : i32
      %scan3A_36:4 = scf.for %scan3A_91 = %scan3A_32 to %scan3A_34 step %scan3A_35 iter_args(%scan3A_92 = %broadcast_in_dim3A_11, %scan3A_93 = %broadcast_in_dim3A_11, %scan3A_94 = %broadcast_in_dim3A_11, %scan3A_95 = %broadcast_in_dim3A_11) -> (vector<16xf32>, vector<16xf32>, vector<16xf32>, vector<16xf32>)  : i32 {
        %mul3A_96 = arith.constant 5 : i32
        %mul3A_97 = arith.muli %scan3A_91, %mul3A_96 : i32
        %mul3A_98 = arith.constant 16 : i32
        %mul3A_99 = arith.muli %mul3A_97, %mul3A_98 : i32
        %add3A_100 = arith.constant 0 : i32
        %add3A_101 = arith.addi %mul3A_99, %add3A_100 : i32
        %get3A = arith.index_cast %add3A_101 : i32 to index
        %get3A_102 = tpu.vector_load %arg13[%get3A] {strides = array<i32>} : memref<1280xf32, #tpu.memory_space<vmem>>, vector<16xf32>,
        %add3A_103 = arith.addf %scan3A_92, %get3A_102 : vector<16xf32>
        %add3A_104 = arith.constant 16 : i32
        %add3A_105 = arith.addi %mul3A_99, %add3A_104 : i32
        %get3A_106 = arith.index_cast %add3A_105 : i32 to index
        %get3A_107 = tpu.vector_load %arg13[%get3A_106] {strides = array<i32>} : memref<1280xf32, #tpu.memory_space<vmem>>, vector<16xf32>,
        %add3A_108 = arith.addf %scan3A_93, %get3A_107 : vector<16xf32>
        %add3A_109 = arith.constant 32 : i32
        %add3A_110 = arith.addi %mul3A_99, %add3A_109 : i32
        %get3A_111 = arith.index_cast %add3A_110 : i32 to index
        %get3A_112 = tpu.vector_load %arg13[%get3A_111] {strides = array<i32>} : memref<1280xf32, #tpu.memory_space<vmem>>, vector<16xf32>,
        %add3A_113 = arith.addf %add3A_108, %get3A_112 : vector<16xf32>
        %add3A_114 = arith.constant 48 : i32
        %add3A_115 = arith.addi %mul3A_99, %add3A_114 : i32
        %get3A_116 = arith.index_cast %add3A_115 : i32 to index
        %get3A_117 = tpu.vector_load %arg13[%get3A_116] {strides = array<i32>} : memref<1280xf32, #tpu.memory_space<vmem>>, vector<16xf32>,
        %add3A_118 = arith.addf %scan3A_94, %get3A_117 : vector<16xf32>
        %add3A_119 = arith.constant 64 : i32
        %add3A_120 = arith.addi %mul3A_99, %add3A_119 : i32
        %get3A_121 = arith.index_cast %add3A_120 : i32 to index
        %get3A_122 = tpu.vector_load %arg13[%get3A_121] {strides = array<i32>} : memref<1280xf32, #tpu.memory_space<vmem>>, vector<16xf32>,
        %add3A_123 = arith.addf %scan3A_95, %get3A_122 : vector<16xf32>
        scf.yield %add3A_103, %add3A_113, %add3A_118, %add3A_123 : vector<16xf32>, vector<16xf32>, vector<16xf32>, vector<16xf32>
      }
      %scan3A_37 = arith.constant 16 : i32
      %reduce_sum3A = arith.constant true
      %reduce_sum3A_38 = vector.broadcast %reduce_sum3A : i1 to vector<16xi1>
      %reduce_sum3A_39 = tpu.scan <sum>, %scan3A_36#0 masked %reduce_sum3A_38 : vector<16xf32>, vector<16xi1> -> vector<16xf32>
      %reduce_sum3A_40 = vector.extract %reduce_sum3A_39[15] : f32 from vector<16xf32>
      %convert_element_type3A_41 = arith.fptosi %reduce_sum3A_40 : f32 to i32
      %mul3A_42 = arith.constant 3 : i32
      %mul3A_43 = arith.muli %convert_element_type3A_41, %mul3A_42 : i32
      %min3A = arith.constant 16384 : i32
      %min3A_44 = arith.minsi %mul3A_43, %min3A : i32
      %max3A = arith.constant 1.000000e+00 : f32
      %max3A_45 = arith.maximumf %reduce_sum3A_40, %max3A : f32
      %reduce_sum3A_46 = arith.constant true
      %reduce_sum3A_47 = vector.broadcast %reduce_sum3A_46 : i1 to vector<16xi1>
      %reduce_sum3A_48 = tpu.scan <sum>, %scan3A_36#1 masked %reduce_sum3A_47 : vector<16xf32>, vector<16xi1> -> vector<16xf32>
      %reduce_sum3A_49 = vector.extract %reduce_sum3A_48[15] : f32 from vector<16xf32>
      %mul3A_50 = arith.constant 3 : i32
      %mul3A_51 = arith.muli %convert_element_type3A_41, %mul3A_50 : i32
      %ge3A = arith.constant 16384 : i32
      %ge3A_52 = arith.cmpi sge, %mul3A_51, %ge3A : i32
      %convert_element_type3A_53 = arith.extui %ge3A_52 : i1 to i32
      %cond3A_54 = arith.constant 0 : i32
      %cond3A_55 = arith.cmpi ne, %convert_element_type3A_53, %cond3A_54 : i32
      %cond3A_56 = scf.if %cond3A_55 -> (f32) {
        %reduce_sum3A_91 = arith.constant true
        %reduce_sum3A_92 = vector.broadcast %reduce_sum3A_91 : i1 to vector<16xi1>
        %reduce_sum3A_93 = tpu.scan <sum>, %scan3A_36#2 masked %reduce_sum3A_92 : vector<16xf32>, vector<16xi1> -> vector<16xf32>
        %reduce_sum3A_94 = vector.extract %reduce_sum3A_93[15] : f32 from vector<16xf32>
        %reduce_sum3A_95 = arith.constant true
        %reduce_sum3A_96 = vector.broadcast %reduce_sum3A_95 : i1 to vector<16xi1>
        %reduce_sum3A_97 = tpu.scan <sum>, %scan3A_36#3 masked %reduce_sum3A_96 : vector<16xf32>, vector<16xi1> -> vector<16xf32>
        %reduce_sum3A_98 = vector.extract %reduce_sum3A_97[15] : f32 from vector<16xf32>
        %add3A_99 = arith.addf %reduce_sum3A_94, %reduce_sum3A_98 : f32
        scf.yield %add3A_99 : f32
      } else {
        "tpu.region"() ({
          %run_scoped3A = tpu.sem_alloc : memref<!tpu.dma_semaphore, #tpu.memory_space<semaphore_mem>>
          %dma_start3A_193 = arith.constant 0 : i32
          %dma_start3A_194 = tpu.memref_slice %arg4[%dma_start3A_193] : memref<262144xf32, #tpu.memory_space<hbm>> -> memref<16384xf32, #tpu.memory_space<hbm>>
          %dma_start3A_195 = arith.constant 0 : i32
          %dma_start3A_196 = tpu.memref_slice %arg4[%dma_start3A_195] : memref<262144xf32, #tpu.memory_space<hbm>> -> memref<16384xf32, #tpu.memory_space<hbm>>
          tpu.enqueue_dma source(%dma_start3A_196 : memref<16384xf32, #tpu.memory_space<hbm>>) target(%arg14 : memref<16384xf32, #tpu.memory_space<vmem>>) target_semaphore(%run_scoped3A : memref<!tpu.dma_semaphore, #tpu.memory_space<semaphore_mem>>)
          %dma_wait3A_197 = arith.constant 0 : i32
          %dma_wait3A_198 = tpu.memref_slice %arg4[%dma_wait3A_197] : memref<262144xf32, #tpu.memory_space<hbm>> -> memref<16384xf32, #tpu.memory_space<hbm>>
          %dma_wait3A_199 = arith.constant 0 : i32
          %dma_wait3A_200 = tpu.memref_slice %arg4[%dma_wait3A_199] : memref<262144xf32, #tpu.memory_space<hbm>> -> memref<16384xf32, #tpu.memory_space<hbm>>
          tpu.wait_dma2 semaphore(%run_scoped3A : memref<!tpu.dma_semaphore, #tpu.memory_space<semaphore_mem>>) src(%dma_wait3A_200 : memref<16384xf32, #tpu.memory_space<hbm>>) dst(%arg14 : memref<16384xf32, #tpu.memory_space<vmem>>)
          tpu.yield
        }) : () -> ()
        "tpu.region"() ({
          %run_scoped3A = tpu.sem_alloc : memref<!tpu.dma_semaphore, #tpu.memory_space<semaphore_mem>>
          %dma_start3A_193 = arith.constant 0 : i32
          %dma_start3A_194 = tpu.memref_slice %arg2[%dma_start3A_193] : memref<262144xf32, #tpu.memory_space<hbm>> -> memref<16384xf32, #tpu.memory_space<hbm>>
          %dma_start3A_195 = arith.constant 0 : i32
          %dma_start3A_196 = tpu.memref_slice %arg2[%dma_start3A_195] : memref<262144xf32, #tpu.memory_space<hbm>> -> memref<16384xf32, #tpu.memory_space<hbm>>
          tpu.enqueue_dma source(%dma_start3A_196 : memref<16384xf32, #tpu.memory_space<hbm>>) target(%arg15 : memref<16384xf32, #tpu.memory_space<vmem>>) target_semaphore(%run_scoped3A : memref<!tpu.dma_semaphore, #tpu.memory_space<semaphore_mem>>)
          %dma_wait3A_197 = arith.constant 0 : i32
          %dma_wait3A_198 = tpu.memref_slice %arg2[%dma_wait3A_197] : memref<262144xf32, #tpu.memory_space<hbm>> -> memref<16384xf32, #tpu.memory_space<hbm>>
          %dma_wait3A_199 = arith.constant 0 : i32
          %dma_wait3A_200 = tpu.memref_slice %arg2[%dma_wait3A_199] : memref<262144xf32, #tpu.memory_space<hbm>> -> memref<16384xf32, #tpu.memory_space<hbm>>
          tpu.wait_dma2 semaphore(%run_scoped3A : memref<!tpu.dma_semaphore, #tpu.memory_space<semaphore_mem>>) src(%dma_wait3A_200 : memref<16384xf32, #tpu.memory_space<hbm>>) dst(%arg15 : memref<16384xf32, #tpu.memory_space<vmem>>)
          tpu.yield
        }) : () -> ()
        "tpu.region"() ({
          %run_scoped3A = tpu.sem_alloc : memref<!tpu.dma_semaphore, #tpu.memory_space<semaphore_mem>>
          %dma_start3A_193 = arith.constant 0 : i32
          %dma_start3A_194 = tpu.memref_slice %arg3[%dma_start3A_193] : memref<262144xf32, #tpu.memory_space<hbm>> -> memref<16384xf32, #tpu.memory_space<hbm>>
          %dma_start3A_195 = arith.constant 0 : i32
          %dma_start3A_196 = tpu.memref_slice %arg3[%dma_start3A_195] : memref<262144xf32, #tpu.memory_space<hbm>> -> memref<16384xf32, #tpu.memory_space<hbm>>
          tpu.enqueue_dma source(%dma_start3A_196 : memref<16384xf32, #tpu.memory_space<hbm>>) target(%arg16 : memref<16384xf32, #tpu.memory_space<vmem>>) target_semaphore(%run_scoped3A : memref<!tpu.dma_semaphore, #tpu.memory_space<semaphore_mem>>)
          %dma_wait3A_197 = arith.constant 0 : i32
          %dma_wait3A_198 = tpu.memref_slice %arg3[%dma_wait3A_197] : memref<262144xf32, #tpu.memory_space<hbm>> -> memref<16384xf32, #tpu.memory_space<hbm>>
          %dma_wait3A_199 = arith.constant 0 : i32
          %dma_wait3A_200 = tpu.memref_slice %arg3[%dma_wait3A_199] : memref<262144xf32, #tpu.memory_space<hbm>> -> memref<16384xf32, #tpu.memory_space<hbm>>
          tpu.wait_dma2 semaphore(%run_scoped3A : memref<!tpu.dma_semaphore, #tpu.memory_space<semaphore_mem>>) src(%dma_wait3A_200 : memref<16384xf32, #tpu.memory_space<hbm>>) dst(%arg16 : memref<16384xf32, #tpu.memory_space<vmem>>)
          tpu.yield
        }) : () -> ()
        %scan3A_91 = arith.constant 0 : i32
        %scan3A_92 = arith.constant 0 : i32
        %scan3A_93 = arith.constant 1024 : i32
        %scan3A_94 = arith.addi %scan3A_92, %scan3A_93 : i32
        %scan3A_95 = arith.constant 1 : i32
        scf.for %scan3A_193 = %scan3A_92 to %scan3A_94 step %scan3A_95  : i32 {
          %mul3A_194 = arith.constant 16 : i32
          %mul3A_195 = arith.muli %scan3A_193, %mul3A_194 : i32
          %get3A = arith.index_cast %mul3A_195 : i32 to index
          %get3A_196 = tpu.vector_load %arg14[%get3A] {strides = array<i32>} : memref<16384xf32, #tpu.memory_space<vmem>>, vector<16xf32>,
          %mul3A_197 = arith.constant 16 : i32
          %mul3A_198 = arith.muli %scan3A_193, %mul3A_197 : i32
          %get3A_199 = arith.index_cast %mul3A_198 : i32 to index
          %get3A_200 = tpu.vector_load %arg15[%get3A_199] {strides = array<i32>} : memref<16384xf32, #tpu.memory_space<vmem>>, vector<16xf32>,
          %eq3A_201 = arith.constant 1.000000e+00 : f32
          %eq3A_202 = vector.broadcast %eq3A_201 : f32 to vector<16xf32>
          %eq3A_203 = arith.cmpf oeq, %get3A_196, %eq3A_202 : vector<16xf32>
          %jit3A_204 = arith.constant 0.000000e+00 : f32
          %jit3A_205 = arith.constant 1.000000e+00 : f32
          %broadcast_in_dim3A_206 = vector.broadcast %jit3A_204 : f32 to vector<16xf32>
          %broadcast_in_dim3A_207 = vector.broadcast %jit3A_205 : f32 to vector<16xf32>
          %select_n3A_208 = arith.select %eq3A_203, %broadcast_in_dim3A_206, %broadcast_in_dim3A_207 : vector<16xi1>, vector<16xf32>
          %mul3A_209 = arith.mulf %get3A_200, %select_n3A_208 : vector<16xf32>
          %bitcast3A_210 = vector.bitcast %mul3A_209 : vector<16xf32> to vector<16xi32>
          %ge3A_211 = arith.constant 0 : i32
          %ge3A_212 = vector.broadcast %ge3A_211 : i32 to vector<16xi32>
          %ge3A_213 = arith.cmpi sge, %bitcast3A_210, %ge3A_212 : vector<16xi32>
          %xor3A_214 = arith.constant 2147483647 : i32
          %xor3A_215 = vector.broadcast %xor3A_214 : i32 to vector<16xi32>
          %xor3A_216 = arith.xori %bitcast3A_210, %xor3A_215 : vector<16xi32>
          %select_n3A_217 = arith.select %ge3A_213, %bitcast3A_210, %xor3A_216 : vector<16xi1>, vector<16xi32>
          %mul3A_218 = arith.constant 16 : i32
          %mul3A_219 = arith.muli %scan3A_193, %mul3A_218 : i32
          %swap3A_220 = arith.index_cast %mul3A_219 : i32 to index
          %swap3A_221 = tpu.vector_load %arg17[%swap3A_220] {strides = array<i32>} : memref<16384xi32, #tpu.memory_space<vmem>>, vector<16xi32>,
          tpu.vector_store %arg17[%swap3A_220], %select_n3A_217 {strides = array<i32>} : memref<16384xi32, #tpu.memory_space<vmem>>, vector<16xi32>,
        }
        %scan3A_96 = arith.constant 1024 : i32
        %scan3A_97 = arith.constant 0 : i32
        %scan3A_98 = arith.constant 0 : i32
        %scan3A_99 = arith.constant 32 : i32
        %scan3A_100 = arith.addi %scan3A_98, %scan3A_99 : i32
        %scan3A_101 = arith.constant 1 : i32
        %scan3A_102 = scf.for %scan3A_193 = %scan3A_98 to %scan3A_100 step %scan3A_101 iter_args(%scan3A_194 = %scan3A_97) -> (i32)  : i32 {
          %sub3A_195 = arith.constant 31 : i32
          %sub3A_196 = arith.subi %sub3A_195, %scan3A_193 : i32
          %shift_left3A = arith.constant 1 : i32
          %shift_left3A_197 = arith.shli %shift_left3A, %sub3A_196 : i32
          %or3A = arith.ori %scan3A_194, %shift_left3A_197 : i32
          %xor3A_198 = arith.constant -2147483648 : i32
          %xor3A_199 = arith.xori %or3A, %xor3A_198 : i32
          %broadcast_in_dim3A_200 = arith.constant 0 : i32
          %broadcast_in_dim3A_201 = vector.broadcast %broadcast_in_dim3A_200 : i32 to vector<16xi32>
          %scan3A_202 = arith.constant 0 : i32
          %scan3A_203 = arith.constant 1024 : i32
          %scan3A_204 = arith.addi %scan3A_202, %scan3A_203 : i32
          %scan3A_205 = arith.constant 1 : i32
          %scan3A_206 = scf.for %scan3A_214 = %scan3A_202 to %scan3A_204 step %scan3A_205 iter_args(%scan3A_215 = %broadcast_in_dim3A_201) -> (vector<16xi32>)  : i32 {
            %mul3A_216 = arith.constant 16 : i32
            %mul3A_217 = arith.muli %scan3A_214, %mul3A_216 : i32
            %get3A = arith.index_cast %mul3A_217 : i32 to index
            %get3A_218 = tpu.vector_load %arg17[%get3A] {strides = array<i32>} : memref<16384xi32, #tpu.memory_space<vmem>>, vector<16xi32>,
            %ge3A_219 = vector.broadcast %xor3A_199 : i32 to vector<16xi32>
            %ge3A_220 = arith.cmpi sge, %get3A_218, %ge3A_219 : vector<16xi32>
            %jit3A_221 = arith.constant 1 : i32
            %jit3A_222 = arith.constant 0 : i32
            %broadcast_in_dim3A_223 = vector.broadcast %jit3A_221 : i32 to vector<16xi32>
            %broadcast_in_dim3A_224 = vector.broadcast %jit3A_222 : i32 to vector<16xi32>
            %select_n3A_225 = arith.select %ge3A_220, %broadcast_in_dim3A_223, %broadcast_in_dim3A_224 : vector<16xi1>, vector<16xi32>
            %add3A_226 = arith.addi %scan3A_215, %select_n3A_225 : vector<16xi32>
            scf.yield %add3A_226 : vector<16xi32>
          }
          %scan3A_207 = arith.constant 1024 : i32
          %reduce_sum3A_208 = arith.constant true
          %reduce_sum3A_209 = vector.broadcast %reduce_sum3A_208 : i1 to vector<16xi1>
          %reduce_sum3A_210 = tpu.scan <sum>, %scan3A_206 masked %reduce_sum3A_209 : vector<16xi32>, vector<16xi1> -> vector<16xi32>
          %reduce_sum3A_211 = vector.extract %reduce_sum3A_210[15] : i32 from vector<16xi32>
          %ge3A_212 = arith.cmpi sge, %reduce_sum3A_211, %min3A_44 : i32
          %select_n3A_213 = arith.select %ge3A_212, %or3A, %scan3A_194 : i32
          scf.yield %select_n3A_213 : i32
        }
        %scan3A_103 = arith.constant 32 : i32
        %xor3A = arith.constant -2147483648 : i32
        %xor3A_104 = arith.xori %scan3A_102, %xor3A : i32
        %broadcast_in_dim3A_105 = arith.constant 0 : i32
        %broadcast_in_dim3A_106 = vector.broadcast %broadcast_in_dim3A_105 : i32 to vector<16xi32>
        %scan3A_107 = arith.constant 0 : i32
        %scan3A_108 = arith.constant 1024 : i32
        %scan3A_109 = arith.addi %scan3A_107, %scan3A_108 : i32
        %scan3A_110 = arith.constant 1 : i32
        %scan3A_111:2 = scf.for %scan3A_193 = %scan3A_107 to %scan3A_109 step %scan3A_110 iter_args(%scan3A_194 = %broadcast_in_dim3A_106, %scan3A_195 = %broadcast_in_dim3A_11) -> (vector<16xi32>, vector<16xf32>)  : i32 {
          %mul3A_196 = arith.constant 16 : i32
          %mul3A_197 = arith.muli %scan3A_193, %mul3A_196 : i32
          %get3A = arith.index_cast %mul3A_197 : i32 to index
          %get3A_198 = tpu.vector_load %arg17[%get3A] {strides = array<i32>} : memref<16384xi32, #tpu.memory_space<vmem>>, vector<16xi32>,
          %gt3A_199 = vector.broadcast %xor3A_104 : i32 to vector<16xi32>
          %gt3A_200 = arith.cmpi sgt, %get3A_198, %gt3A_199 : vector<16xi32>
          %ge3A_201 = arith.constant 0 : i32
          %ge3A_202 = vector.broadcast %ge3A_201 : i32 to vector<16xi32>
          %ge3A_203 = arith.cmpi sge, %get3A_198, %ge3A_202 : vector<16xi32>
          %xor3A_204 = arith.constant 2147483647 : i32
          %xor3A_205 = vector.broadcast %xor3A_204 : i32 to vector<16xi32>
          %xor3A_206 = arith.xori %get3A_198, %xor3A_205 : vector<16xi32>
          %select_n3A_207 = arith.select %ge3A_203, %get3A_198, %xor3A_206 : vector<16xi1>, vector<16xi32>
          %bitcast3A_208 = vector.bitcast %select_n3A_207 : vector<16xi32> to vector<16xf32>
          %mul3A_209 = arith.mulf %bitcast3A_208, %bitcast3A_208 : vector<16xf32>
          %jit3A_210 = arith.constant 1 : i32
          %jit3A_211 = arith.constant 0 : i32
          %broadcast_in_dim3A_212 = vector.broadcast %jit3A_210 : i32 to vector<16xi32>
          %broadcast_in_dim3A_213 = vector.broadcast %jit3A_211 : i32 to vector<16xi32>
          %select_n3A_214 = arith.select %gt3A_200, %broadcast_in_dim3A_212, %broadcast_in_dim3A_213 : vector<16xi1>, vector<16xi32>
          %add3A_215 = arith.addi %scan3A_194, %select_n3A_214 : vector<16xi32>
          %jit3A_216 = arith.constant 0.000000e+00 : f32
          %broadcast_in_dim3A_217 = vector.broadcast %jit3A_216 : f32 to vector<16xf32>
          %select_n3A_218 = arith.select %gt3A_200, %mul3A_209, %broadcast_in_dim3A_217 : vector<16xi1>, vector<16xf32>
          %add3A_219 = arith.addf %scan3A_195, %select_n3A_218 : vector<16xf32>
          scf.yield %add3A_215, %add3A_219 : vector<16xi32>, vector<16xf32>
        }
        %scan3A_112 = arith.constant 1024 : i32
        %reduce_sum3A_113 = arith.constant true
        %reduce_sum3A_114 = vector.broadcast %reduce_sum3A_113 : i1 to vector<16xi1>
        %reduce_sum3A_115 = tpu.scan <sum>, %scan3A_111#0 masked %reduce_sum3A_114 : vector<16xi32>, vector<16xi1> -> vector<16xi32>
        %reduce_sum3A_116 = vector.extract %reduce_sum3A_115[15] : i32 from vector<16xi32>
        %reduce_sum3A_117 = arith.constant true
        %reduce_sum3A_118 = vector.broadcast %reduce_sum3A_117 : i1 to vector<16xi1>
        %reduce_sum3A_119 = tpu.scan <sum>, %scan3A_111#1 masked %reduce_sum3A_118 : vector<16xf32>, vector<16xi1> -> vector<16xf32>
        %reduce_sum3A_120 = vector.extract %reduce_sum3A_119[15] : f32 from vector<16xf32>
        %broadcast_in_dim3A_121 = vector.broadcast %xor3A_104 : i32 to vector<16xi32>
        %ge3A_122 = arith.constant 0 : i32
        %ge3A_123 = vector.broadcast %ge3A_122 : i32 to vector<16xi32>
        %ge3A_124 = arith.cmpi sge, %broadcast_in_dim3A_121, %ge3A_123 : vector<16xi32>
        %xor3A_125 = arith.constant 2147483647 : i32
        %xor3A_126 = vector.broadcast %xor3A_125 : i32 to vector<16xi32>
        %xor3A_127 = arith.xori %broadcast_in_dim3A_121, %xor3A_126 : vector<16xi32>
        %select_n3A_128 = arith.select %ge3A_124, %broadcast_in_dim3A_121, %xor3A_127 : vector<16xi1>, vector<16xi32>
        %bitcast3A = vector.bitcast %select_n3A_128 : vector<16xi32> to vector<16xf32>
        %mul3A_129 = arith.mulf %bitcast3A, %bitcast3A : vector<16xf32>
        %reduce_max3A = arith.constant true
        %reduce_max3A_130 = vector.broadcast %reduce_max3A : i1 to vector<16xi1>
        %reduce_max3A_131 = tpu.scan <max>, %mul3A_129 masked %reduce_max3A_130 : vector<16xf32>, vector<16xi1> -> vector<16xf32>
        %reduce_max3A_132 = vector.extract %reduce_max3A_131[15] : f32 from vector<16xf32>
        %sub3A = arith.subi %min3A_44, %reduce_sum3A_116 : i32
        %gt3A = arith.constant 0 : i32
        %gt3A_133 = arith.cmpi sgt, %sub3A, %gt3A : i32
        %convert_element_type3A_134 = arith.sitofp %sub3A : i32 to f32
        %mul3A_135 = arith.mulf %convert_element_type3A_134, %reduce_max3A_132 : f32
        %jit3A_136 = arith.constant 0.000000e+00 : f32
        %select_n3A_137 = arith.select %gt3A_133, %mul3A_135, %jit3A_136 : f32
        %add3A_138 = arith.addf %reduce_sum3A_120, %select_n3A_137 : f32
        %scan3A_139 = arith.constant 0 : i32
        %scan3A_140 = arith.constant 0 : i32
        %scan3A_141 = arith.constant 1024 : i32
        %scan3A_142 = arith.addi %scan3A_140, %scan3A_141 : i32
        %scan3A_143 = arith.constant 1 : i32
        scf.for %scan3A_193 = %scan3A_140 to %scan3A_142 step %scan3A_143  : i32 {
          %mul3A_194 = arith.constant 16 : i32
          %mul3A_195 = arith.muli %scan3A_193, %mul3A_194 : i32
          %get3A = arith.index_cast %mul3A_195 : i32 to index
          %get3A_196 = tpu.vector_load %arg14[%get3A] {strides = array<i32>} : memref<16384xf32, #tpu.memory_space<vmem>>, vector<16xf32>,
          %mul3A_197 = arith.constant 16 : i32
          %mul3A_198 = arith.muli %scan3A_193, %mul3A_197 : i32
          %get3A_199 = arith.index_cast %mul3A_198 : i32 to index
          %get3A_200 = tpu.vector_load %arg16[%get3A_199] {strides = array<i32>} : memref<16384xf32, #tpu.memory_space<vmem>>, vector<16xf32>,
          %eq3A_201 = arith.constant 1.000000e+00 : f32
          %eq3A_202 = vector.broadcast %eq3A_201 : f32 to vector<16xf32>
          %eq3A_203 = arith.cmpf oeq, %get3A_196, %eq3A_202 : vector<16xf32>
          %jit3A_204 = arith.constant 0.000000e+00 : f32
          %jit3A_205 = arith.constant 1.000000e+00 : f32
          %broadcast_in_dim3A_206 = vector.broadcast %jit3A_204 : f32 to vector<16xf32>
          %broadcast_in_dim3A_207 = vector.broadcast %jit3A_205 : f32 to vector<16xf32>
          %select_n3A_208 = arith.select %eq3A_203, %broadcast_in_dim3A_206, %broadcast_in_dim3A_207 : vector<16xi1>, vector<16xf32>
          %mul3A_209 = arith.mulf %get3A_200, %select_n3A_208 : vector<16xf32>
          %bitcast3A_210 = vector.bitcast %mul3A_209 : vector<16xf32> to vector<16xi32>
          %ge3A_211 = arith.constant 0 : i32
          %ge3A_212 = vector.broadcast %ge3A_211 : i32 to vector<16xi32>
          %ge3A_213 = arith.cmpi sge, %bitcast3A_210, %ge3A_212 : vector<16xi32>
          %xor3A_214 = arith.constant 2147483647 : i32
          %xor3A_215 = vector.broadcast %xor3A_214 : i32 to vector<16xi32>
          %xor3A_216 = arith.xori %bitcast3A_210, %xor3A_215 : vector<16xi32>
          %select_n3A_217 = arith.select %ge3A_213, %bitcast3A_210, %xor3A_216 : vector<16xi1>, vector<16xi32>
          %mul3A_218 = arith.constant 16 : i32
          %mul3A_219 = arith.muli %scan3A_193, %mul3A_218 : i32
          %swap3A_220 = arith.index_cast %mul3A_219 : i32 to index
          %swap3A_221 = tpu.vector_load %arg17[%swap3A_220] {strides = array<i32>} : memref<16384xi32, #tpu.memory_space<vmem>>, vector<16xi32>,
          tpu.vector_store %arg17[%swap3A_220], %select_n3A_217 {strides = array<i32>} : memref<16384xi32, #tpu.memory_space<vmem>>, vector<16xi32>,
        }
        %scan3A_144 = arith.constant 1024 : i32
        %scan3A_145 = arith.constant 0 : i32
        %scan3A_146 = arith.constant 0 : i32
        %scan3A_147 = arith.constant 32 : i32
        %scan3A_148 = arith.addi %scan3A_146, %scan3A_147 : i32
        %scan3A_149 = arith.constant 1 : i32
        %scan3A_150 = scf.for %scan3A_193 = %scan3A_146 to %scan3A_148 step %scan3A_149 iter_args(%scan3A_194 = %scan3A_145) -> (i32)  : i32 {
          %sub3A_195 = arith.constant 31 : i32
          %sub3A_196 = arith.subi %sub3A_195, %scan3A_193 : i32
          %shift_left3A = arith.constant 1 : i32
          %shift_left3A_197 = arith.shli %shift_left3A, %sub3A_196 : i32
          %or3A = arith.ori %scan3A_194, %shift_left3A_197 : i32
          %xor3A_198 = arith.constant -2147483648 : i32
          %xor3A_199 = arith.xori %or3A, %xor3A_198 : i32
          %broadcast_in_dim3A_200 = arith.constant 0 : i32
          %broadcast_in_dim3A_201 = vector.broadcast %broadcast_in_dim3A_200 : i32 to vector<16xi32>
          %scan3A_202 = arith.constant 0 : i32
          %scan3A_203 = arith.constant 1024 : i32
          %scan3A_204 = arith.addi %scan3A_202, %scan3A_203 : i32
          %scan3A_205 = arith.constant 1 : i32
          %scan3A_206 = scf.for %scan3A_214 = %scan3A_202 to %scan3A_204 step %scan3A_205 iter_args(%scan3A_215 = %broadcast_in_dim3A_201) -> (vector<16xi32>)  : i32 {
            %mul3A_216 = arith.constant 16 : i32
            %mul3A_217 = arith.muli %scan3A_214, %mul3A_216 : i32
            %get3A = arith.index_cast %mul3A_217 : i32 to index
            %get3A_218 = tpu.vector_load %arg17[%get3A] {strides = array<i32>} : memref<16384xi32, #tpu.memory_space<vmem>>, vector<16xi32>,
            %ge3A_219 = vector.broadcast %xor3A_199 : i32 to vector<16xi32>
            %ge3A_220 = arith.cmpi sge, %get3A_218, %ge3A_219 : vector<16xi32>
            %jit3A_221 = arith.constant 1 : i32
            %jit3A_222 = arith.constant 0 : i32
            %broadcast_in_dim3A_223 = vector.broadcast %jit3A_221 : i32 to vector<16xi32>
            %broadcast_in_dim3A_224 = vector.broadcast %jit3A_222 : i32 to vector<16xi32>
            %select_n3A_225 = arith.select %ge3A_220, %broadcast_in_dim3A_223, %broadcast_in_dim3A_224 : vector<16xi1>, vector<16xi32>
            %add3A_226 = arith.addi %scan3A_215, %select_n3A_225 : vector<16xi32>
            scf.yield %add3A_226 : vector<16xi32>
          }
          %scan3A_207 = arith.constant 1024 : i32
          %reduce_sum3A_208 = arith.constant true
          %reduce_sum3A_209 = vector.broadcast %reduce_sum3A_208 : i1 to vector<16xi1>
          %reduce_sum3A_210 = tpu.scan <sum>, %scan3A_206 masked %reduce_sum3A_209 : vector<16xi32>, vector<16xi1> -> vector<16xi32>
          %reduce_sum3A_211 = vector.extract %reduce_sum3A_210[15] : i32 from vector<16xi32>
          %ge3A_212 = arith.cmpi sge, %reduce_sum3A_211, %min3A_44 : i32
          %select_n3A_213 = arith.select %ge3A_212, %or3A, %scan3A_194 : i32
          scf.yield %select_n3A_213 : i32
        }
        %scan3A_151 = arith.constant 32 : i32
        %xor3A_152 = arith.constant -2147483648 : i32
        %xor3A_153 = arith.xori %scan3A_150, %xor3A_152 : i32
        %broadcast_in_dim3A_154 = arith.constant 0 : i32
        %broadcast_in_dim3A_155 = vector.broadcast %broadcast_in_dim3A_154 : i32 to vector<16xi32>
        %scan3A_156 = arith.constant 0 : i32
        %scan3A_157 = arith.constant 1024 : i32
        %scan3A_158 = arith.addi %scan3A_156, %scan3A_157 : i32
        %scan3A_159 = arith.constant 1 : i32
        %scan3A_160:2 = scf.for %scan3A_193 = %scan3A_156 to %scan3A_158 step %scan3A_159 iter_args(%scan3A_194 = %broadcast_in_dim3A_155, %scan3A_195 = %broadcast_in_dim3A_11) -> (vector<16xi32>, vector<16xf32>)  : i32 {
          %mul3A_196 = arith.constant 16 : i32
          %mul3A_197 = arith.muli %scan3A_193, %mul3A_196 : i32
          %get3A = arith.index_cast %mul3A_197 : i32 to index
          %get3A_198 = tpu.vector_load %arg17[%get3A] {strides = array<i32>} : memref<16384xi32, #tpu.memory_space<vmem>>, vector<16xi32>,
          %gt3A_199 = vector.broadcast %xor3A_153 : i32 to vector<16xi32>
          %gt3A_200 = arith.cmpi sgt, %get3A_198, %gt3A_199 : vector<16xi32>
          %ge3A_201 = arith.constant 0 : i32
          %ge3A_202 = vector.broadcast %ge3A_201 : i32 to vector<16xi32>
          %ge3A_203 = arith.cmpi sge, %get3A_198, %ge3A_202 : vector<16xi32>
          %xor3A_204 = arith.constant 2147483647 : i32
          %xor3A_205 = vector.broadcast %xor3A_204 : i32 to vector<16xi32>
          %xor3A_206 = arith.xori %get3A_198, %xor3A_205 : vector<16xi32>
          %select_n3A_207 = arith.select %ge3A_203, %get3A_198, %xor3A_206 : vector<16xi1>, vector<16xi32>
          %bitcast3A_208 = vector.bitcast %select_n3A_207 : vector<16xi32> to vector<16xf32>
          %mul3A_209 = arith.mulf %bitcast3A_208, %bitcast3A_208 : vector<16xf32>
          %jit3A_210 = arith.constant 1 : i32
          %jit3A_211 = arith.constant 0 : i32
          %broadcast_in_dim3A_212 = vector.broadcast %jit3A_210 : i32 to vector<16xi32>
          %broadcast_in_dim3A_213 = vector.broadcast %jit3A_211 : i32 to vector<16xi32>
          %select_n3A_214 = arith.select %gt3A_200, %broadcast_in_dim3A_212, %broadcast_in_dim3A_213 : vector<16xi1>, vector<16xi32>
          %add3A_215 = arith.addi %scan3A_194, %select_n3A_214 : vector<16xi32>
          %jit3A_216 = arith.constant 0.000000e+00 : f32
          %broadcast_in_dim3A_217 = vector.broadcast %jit3A_216 : f32 to vector<16xf32>
          %select_n3A_218 = arith.select %gt3A_200, %mul3A_209, %broadcast_in_dim3A_217 : vector<16xi1>, vector<16xf32>
          %add3A_219 = arith.addf %scan3A_195, %select_n3A_218 : vector<16xf32>
          scf.yield %add3A_215, %add3A_219 : vector<16xi32>, vector<16xf32>
        }
        %scan3A_161 = arith.constant 1024 : i32
        %reduce_sum3A_162 = arith.constant true
        %reduce_sum3A_163 = vector.broadcast %reduce_sum3A_162 : i1 to vector<16xi1>
        %reduce_sum3A_164 = tpu.scan <sum>, %scan3A_160#0 masked %reduce_sum3A_163 : vector<16xi32>, vector<16xi1> -> vector<16xi32>
        %reduce_sum3A_165 = vector.extract %reduce_sum3A_164[15] : i32 from vector<16xi32>
        %reduce_sum3A_166 = arith.constant true
        %reduce_sum3A_167 = vector.broadcast %reduce_sum3A_166 : i1 to vector<16xi1>
        %reduce_sum3A_168 = tpu.scan <sum>, %scan3A_160#1 masked %reduce_sum3A_167 : vector<16xf32>, vector<16xi1> -> vector<16xf32>
        %reduce_sum3A_169 = vector.extract %reduce_sum3A_168[15] : f32 from vector<16xf32>
        %broadcast_in_dim3A_170 = vector.broadcast %xor3A_153 : i32 to vector<16xi32>
        %ge3A_171 = arith.constant 0 : i32
        %ge3A_172 = vector.broadcast %ge3A_171 : i32 to vector<16xi32>
        %ge3A_173 = arith.cmpi sge, %broadcast_in_dim3A_170, %ge3A_172 : vector<16xi32>
        %xor3A_174 = arith.constant 2147483647 : i32
        %xor3A_175 = vector.broadcast %xor3A_174 : i32 to vector<16xi32>
        %xor3A_176 = arith.xori %broadcast_in_dim3A_170, %xor3A_175 : vector<16xi32>
        %select_n3A_177 = arith.select %ge3A_173, %broadcast_in_dim3A_170, %xor3A_176 : vector<16xi1>, vector<16xi32>
        %bitcast3A_178 = vector.bitcast %select_n3A_177 : vector<16xi32> to vector<16xf32>
        %mul3A_179 = arith.mulf %bitcast3A_178, %bitcast3A_178 : vector<16xf32>
        %reduce_max3A_180 = arith.constant true
        %reduce_max3A_181 = vector.broadcast %reduce_max3A_180 : i1 to vector<16xi1>
        %reduce_max3A_182 = tpu.scan <max>, %mul3A_179 masked %reduce_max3A_181 : vector<16xf32>, vector<16xi1> -> vector<16xf32>
        %reduce_max3A_183 = vector.extract %reduce_max3A_182[15] : f32 from vector<16xf32>
        %sub3A_184 = arith.subi %min3A_44, %reduce_sum3A_165 : i32
        %gt3A_185 = arith.constant 0 : i32
        %gt3A_186 = arith.cmpi sgt, %sub3A_184, %gt3A_185 : i32
        %convert_element_type3A_187 = arith.sitofp %sub3A_184 : i32 to f32
        %mul3A_188 = arith.mulf %convert_element_type3A_187, %reduce_max3A_183 : f32
        %jit3A_189 = arith.constant 0.000000e+00 : f32
        %select_n3A_190 = arith.select %gt3A_186, %mul3A_188, %jit3A_189 : f32
        %add3A_191 = arith.addf %reduce_sum3A_169, %select_n3A_190 : f32
        %add3A_192 = arith.addf %add3A_138, %add3A_191 : f32
        scf.yield %add3A_192 : f32
      }
      %iota3A = tpu.iota {dimensions = array<i32: 0>} : vector<16xi32>
      %broadcast_in_dim3A_57 = vector.broadcast %max3A_45 : f32 to vector<16xf32>
      %eq3A_58 = arith.constant 0 : i32
      %eq3A_59 = vector.broadcast %eq3A_58 : i32 to vector<16xi32>
      %eq3A_60 = arith.cmpi eq, %iota3A, %eq3A_59 : vector<16xi32>
      %add3A = arith.addf %reduce_sum3A_49, %cond3A_56 : f32
      %eq3A_61 = arith.constant 8 : i32
      %eq3A_62 = vector.broadcast %eq3A_61 : i32 to vector<16xi32>
      %eq3A_63 = arith.cmpi eq, %iota3A, %eq3A_62 : vector<16xi32>
      %jit3A = arith.constant 0.000000e+00 : f32
      %broadcast_in_dim3A_64 = vector.broadcast %reduce_sum3A_49 : f32 to vector<16xf32>
      %broadcast_in_dim3A_65 = vector.broadcast %jit3A : f32 to vector<16xf32>
      %select_n3A = arith.select %eq3A_63, %broadcast_in_dim3A_64, %broadcast_in_dim3A_65 : vector<16xi1>, vector<16xf32>
      %broadcast_in_dim3A_66 = vector.broadcast %add3A : f32 to vector<16xf32>
      %select_n3A_67 = arith.select %eq3A_60, %broadcast_in_dim3A_66, %select_n3A : vector<16xi1>, vector<16xf32>
      %eq3A_68 = arith.constant 0 : i32
      %eq3A_69 = vector.broadcast %eq3A_68 : i32 to vector<16xi32>
      %eq3A_70 = arith.cmpi eq, %iota3A, %eq3A_69 : vector<16xi32>
      %jit3A_71 = arith.constant 0.000000e+00 : f32
      %broadcast_in_dim3A_72 = vector.broadcast %cond3A_56 : f32 to vector<16xf32>
      %broadcast_in_dim3A_73 = vector.broadcast %jit3A_71 : f32 to vector<16xf32>
      %select_n3A_74 = arith.select %eq3A_70, %broadcast_in_dim3A_72, %broadcast_in_dim3A_73 : vector<16xi1>, vector<16xf32>
      %mul3A_75 = arith.constant 5.000000e-01 : f32
      %mul3A_76 = vector.broadcast %mul3A_75 : f32 to vector<16xf32>
      %mul3A_77 = arith.mulf %select_n3A_67, %mul3A_76 : vector<16xf32>
      %div3A = arith.divf %mul3A_77, %broadcast_in_dim3A_57 : vector<16xf32>
      %swap3A_78 = arith.constant 0 : index
      %swap3A_79 = tpu.vector_load %arg18[%swap3A_78] {strides = array<i32>} : memref<32xf32, #tpu.memory_space<vmem>>, vector<16xf32>,
      tpu.vector_store %arg18[%swap3A_78], %div3A {strides = array<i32>} : memref<32xf32, #tpu.memory_space<vmem>>, vector<16xf32>,
      %mul3A_80 = arith.constant 5.000000e-01 : f32
      %mul3A_81 = vector.broadcast %mul3A_80 : f32 to vector<16xf32>
      %mul3A_82 = arith.mulf %select_n3A_74, %mul3A_81 : vector<16xf32>
      %div3A_83 = arith.divf %mul3A_82, %broadcast_in_dim3A_57 : vector<16xf32>
      %swap3A_84 = arith.constant 16 : index
      %swap3A_85 = tpu.vector_load %arg18[%swap3A_84] {strides = array<i32>} : memref<32xf32, #tpu.memory_space<vmem>>, vector<16xf32>,
      tpu.vector_store %arg18[%swap3A_84], %div3A_83 {strides = array<i32>} : memref<32xf32, #tpu.memory_space<vmem>>, vector<16xf32>,
      %eq3A_86 = arith.constant 0 : i32
      %eq3A_87 = arith.cmpi eq, %arg0, %eq3A_86 : i32
      %convert_element_type3A_88 = arith.extui %eq3A_87 : i1 to i32
      %cond3A_89 = arith.constant 0 : i32
      %cond3A_90 = arith.cmpi ne, %convert_element_type3A_88, %cond3A_89 : i32
      scf.if %cond3A_90 {
        "tpu.region"() ({
          %run_scoped3A = tpu.sem_alloc : memref<!tpu.dma_semaphore, #tpu.memory_space<semaphore_mem>>
          %dma_start3A_91 = arith.constant 0 : i32
          %dma_start3A_92 = tpu.memref_slice %arg18[%dma_start3A_91] : memref<32xf32, #tpu.memory_space<vmem>> -> memref<1xf32, #tpu.memory_space<vmem>>
          %dma_start3A_93 = arith.constant 0 : i32
          %dma_start3A_94 = tpu.memref_slice %arg18[%dma_start3A_93] : memref<32xf32, #tpu.memory_space<vmem>> -> memref<1xf32, #tpu.memory_space<vmem>>
          tpu.enqueue_dma source(%dma_start3A_94 : memref<1xf32, #tpu.memory_space<vmem>>) target(%arg5 : memref<1xf32, #tpu.memory_space<hbm>>) target_semaphore(%run_scoped3A : memref<!tpu.dma_semaphore, #tpu.memory_space<semaphore_mem>>)
          %dma_wait3A_95 = arith.constant 0 : i32
          %dma_wait3A_96 = tpu.memref_slice %arg18[%dma_wait3A_95] : memref<32xf32, #tpu.memory_space<vmem>> -> memref<1xf32, #tpu.memory_space<vmem>>
          %dma_wait3A_97 = arith.constant 0 : i32
          %dma_wait3A_98 = tpu.memref_slice %arg18[%dma_wait3A_97] : memref<32xf32, #tpu.memory_space<vmem>> -> memref<1xf32, #tpu.memory_space<vmem>>
          tpu.wait_dma2 semaphore(%run_scoped3A : memref<!tpu.dma_semaphore, #tpu.memory_space<semaphore_mem>>) src(%dma_wait3A_98 : memref<1xf32, #tpu.memory_space<vmem>>) dst(%arg5 : memref<1xf32, #tpu.memory_space<hbm>>)
          tpu.yield
        }) : () -> ()
        "tpu.region"() ({
          %run_scoped3A = tpu.sem_alloc : memref<!tpu.dma_semaphore, #tpu.memory_space<semaphore_mem>>
          %dma_start3A_91 = arith.constant 8 : i32
          %dma_start3A_92 = tpu.memref_slice %arg18[%dma_start3A_91] : memref<32xf32, #tpu.memory_space<vmem>> -> memref<1xf32, #tpu.memory_space<vmem>>
          %dma_start3A_93 = arith.constant 8 : i32
          %dma_start3A_94 = tpu.memref_slice %arg18[%dma_start3A_93] : memref<32xf32, #tpu.memory_space<vmem>> -> memref<1xf32, #tpu.memory_space<vmem>>
          tpu.enqueue_dma source(%dma_start3A_94 : memref<1xf32, #tpu.memory_space<vmem>>) target(%arg6 : memref<1xf32, #tpu.memory_space<hbm>>) target_semaphore(%run_scoped3A : memref<!tpu.dma_semaphore, #tpu.memory_space<semaphore_mem>>)
          %dma_wait3A_95 = arith.constant 8 : i32
          %dma_wait3A_96 = tpu.memref_slice %arg18[%dma_wait3A_95] : memref<32xf32, #tpu.memory_space<vmem>> -> memref<1xf32, #tpu.memory_space<vmem>>
          %dma_wait3A_97 = arith.constant 8 : i32
          %dma_wait3A_98 = tpu.memref_slice %arg18[%dma_wait3A_97] : memref<32xf32, #tpu.memory_space<vmem>> -> memref<1xf32, #tpu.memory_space<vmem>>
          tpu.wait_dma2 semaphore(%run_scoped3A : memref<!tpu.dma_semaphore, #tpu.memory_space<semaphore_mem>>) src(%dma_wait3A_98 : memref<1xf32, #tpu.memory_space<vmem>>) dst(%arg6 : memref<1xf32, #tpu.memory_space<hbm>>)
          tpu.yield
        }) : () -> ()
        "tpu.region"() ({
          %run_scoped3A = tpu.sem_alloc : memref<!tpu.dma_semaphore, #tpu.memory_space<semaphore_mem>>
          %dma_start3A_91 = arith.constant 16 : i32
          %dma_start3A_92 = tpu.memref_slice %arg18[%dma_start3A_91] : memref<32xf32, #tpu.memory_space<vmem>> -> memref<1xf32, #tpu.memory_space<vmem>>
          %dma_start3A_93 = arith.constant 16 : i32
          %dma_start3A_94 = tpu.memref_slice %arg18[%dma_start3A_93] : memref<32xf32, #tpu.memory_space<vmem>> -> memref<1xf32, #tpu.memory_space<vmem>>
          tpu.enqueue_dma source(%dma_start3A_94 : memref<1xf32, #tpu.memory_space<vmem>>) target(%arg7 : memref<1xf32, #tpu.memory_space<hbm>>) target_semaphore(%run_scoped3A : memref<!tpu.dma_semaphore, #tpu.memory_space<semaphore_mem>>)
          %dma_wait3A_95 = arith.constant 16 : i32
          %dma_wait3A_96 = tpu.memref_slice %arg18[%dma_wait3A_95] : memref<32xf32, #tpu.memory_space<vmem>> -> memref<1xf32, #tpu.memory_space<vmem>>
          %dma_wait3A_97 = arith.constant 16 : i32
          %dma_wait3A_98 = tpu.memref_slice %arg18[%dma_wait3A_97] : memref<32xf32, #tpu.memory_space<vmem>> -> memref<1xf32, #tpu.memory_space<vmem>>
          tpu.wait_dma2 semaphore(%run_scoped3A : memref<!tpu.dma_semaphore, #tpu.memory_space<semaphore_mem>>) src(%dma_wait3A_98 : memref<1xf32, #tpu.memory_space<vmem>>) dst(%arg7 : memref<1xf32, #tpu.memory_space<hbm>>)
          tpu.yield
        }) : () -> ()
      } else {
      }
    } else {
    }
    return
  }
}

</mosaic_0001>

<sc_bundles>
// kernel: kernel.3.cloned.1.call-start
scs
__scs_entry_jumppad:
0x0: {  	(pc) =	sbr.rel $0x88, $3  }
0x1: {  	(tag) =	ssettag $0x0;
	lr =	simm.s32 $0x1  }
0x2: {  	[smem:$0x3F9E] =	sst lr;
	_ =	strace $0xD0000000  }
0x3: {  	_ = 	snop  }
0x4: {  	_ = 	snop  }
0x5: {  	_ = 	snop  }
0x6: {  	_ = 	snop  }
0x7: {  	_ = 	snop  }
__scs_overlays_trampoline_lowered:
0x8: {  	[smem:$0x3FAD] =	sst s0  }
0x9: {  	[smem:$0x3FAE] =	sst s1  }
0xa: {  	[smem:$0x3FAF] =	sst s2  }
0xb: {  	[smem:$0x3FB0] =	sst s3  }
0xc: {  	[smem:$0x3FB1] =	sst s4  }
0xd: {  	[smem:$0x3FB2] =	sst s5  }
0xe: {  	[smem:$0x3FB3] =	sst s6  }
0xf: {  	[smem:$0x3FB4] =	sst s7  }
0x10: {  	[smem:$0x3FB5] =	sst s8  }
0x11: {  	[smem:$0x3FB6] =	sst s9;
	s0 =	simm.s32 @!p0 $0x0  }
0x12: {  	s1 =	sld [smem:$0x3F9C];
	s0 =	simm.s32 @p0 $0x1  }
0x13: {  	[smem:$0x3FB7] =	sst s0;
	s0 =	simm.s32 @!p1 $0x0  }
0x14: {  	s2 =	sld [smem:$0x3F9B];
	s0 =	simm.s32 @p1 $0x1  }
0x15: {  	[smem:$0x3FB8] =	sst s0;
	s0 =	simm.s32 @!p2 $0x0  }
0x16: {  	s3 =	sld [smem:$0x3FDB];
	s0 =	simm.s32 @p2 $0x1  }
0x17: {  	s4 =	simm.s32 $0x1BF5;
	[smem:$0x3FBA] =	sst s0  }
0x18: {  	s0 =	sld [smem:$0x3F9D];
	_ =	swait.ge [sflag:s4], $0x0  }
0x19: {  	s7 =	sld [smem:$0x3F9E]  }
0x1a: {  	s8 =	sadd.s32 $0xFFFFE003, lr  }
0x1b: {  	s9 =	sadd.s32 $0xFFFFFEF7, lr;
	s5 =	simm.s32 $0xFFFFFFFF;
	p2 =	slt.u32 s8, $0xFFFFF086  }
0x1c: {  	p1 =	slt.u32 s9, $0xF7A;
	s5 =	simm.s32 @!p2 $0x0  }
0x1d: {  	s5 =	simm.s32 @p1 $0x1;
	p0 =	seq.s32 s7, s2  }
0x1e: {  	s7 =	smul.u32 @!p0 $0xF7A, s2;
	p2 =	seq.s32 @!p0 s5, $0x0  }
0x1f: {  	s9 =	smul.u32 $0xF7A, s1;
	s8 =	simm.s32 @!p0 $0x1BF5;
	p2 =	por !p2, p0  }
0x20: {  	[sflag:s8] =	ssyncset.s32 @!p0 $0xFFFFF086;
	s6 =	sadd.s32 @!p0 s3, s7;
	s7 =	simm.s32 @!p0 $0x108  }
0x21: {  	s3 =	sadd.s32 s3, s9;
	s6 =	sadd.s32 @!p0 $0x88, s6;
	s7 =	simm.s32 @p2 $0x1082  }
0x22: {  	[simem:s7], [sflag:s8] =	dma.local @!p0 [hbm:s6], $0xF7A  }
0x23: {  	s9 =	sor.u32 $0xD0000000, s2;
	s6 =	simm.s32 $0x108;
	_ =	swait.ge @!p0 [sflag:s8], $0x0  }
0x24: {  	s3 =	sadd.s32 $0x88, s3;
	s6 =	simm.s32 @!p1 $0x1082;
	[sflag:s4] =	ssyncset.s32 $0xFFFFF086  }
0x25: {  	[simem:s6], [sflag:s4] =	dma.local [hbm:s3], $0xF7A  }
0x26: {  	[smem:$0x3F9E] =	sst s1;
	(tag) =	ssettag s2;
	_ =	strace s9  }
0x27: {  	s1 =	sld [smem:$0x3FAE]  }
0x28: {  	s2 =	sld [smem:$0x3FAF]  }
0x29: {  	s4 =	sld [smem:$0x3FB1]  }
0x2a: {  	p0 =	seq.s32 s5, $0x0;
	s5 =	sld [smem:$0x3FB2]  }
0x2b: {  	s6 =	sld [smem:$0x3FB3]  }
0x2c: {  	s7 =	sld [smem:$0x3FB4]  }
0x2d: {  	s3 =	simm.s32 $0x108;
	s8 =	sld [smem:$0x3FB5]  }
0x2e: {  	s3 =	simm.s32 @!p0 $0x1082;
	s9 =	sld [smem:$0x3FB6]  }
0x2f: {  	lr =	sadd.s32 s0, s3;
	s0 =	sld [smem:$0x3FAD]  }
0x30: {  	s3 =	sld [smem:$0x3FB0]  }
0x31: {  	[smem:$0x3FB9] =	sst s10  }
0x32: {  	s10 =	sld [smem:$0x3FB7];
	_ =	sdelay $0x3  }
0x33: {  	p0 =	seq.s32 s10, $0x1;
	s10 =	sld [smem:$0x3FB9];
	_ =	sdelay $0x3  }
0x34: {  	[smem:$0x3FB9] =	sst s10  }
0x35: {  	s10 =	sld [smem:$0x3FB8];
	_ =	sdelay $0x3  }
0x36: {  	p1 =	seq.s32 s10, $0x1;
	s10 =	sld [smem:$0x3FB9];
	_ =	sdelay $0x3  }
0x37: {  	[smem:$0x3FB9] =	sst s10  }
0x38: {  	s10 =	sld [smem:$0x3FBA]  }
0x39: {  	_ = 	snop;
	(pc) =	sbr.ind lr, $3  }
0x3a: {  	_ = 	snop  }
0x3b: {  	_ = 	snop  }
0x3c: {  	p2 =	seq.s32 s10, $0x1;
	s10 =	sld [smem:$0x3FB9]  }
0x3d: {  	_ =	shalt  }
0x3e: {  	_ =	shalt  }
0x3f: {  	_ =	shalt  }
0x40: {  	_ =	shalt  }
0x41: {  	_ =	shalt  }
0x42: {  	_ =	shalt  }
0x43: {  	_ =	shalt  }
0x44: {  	_ =	shalt  }
0x45: {  	_ =	shalt  }
0x46: {  	_ =	shalt  }
0x47: {  	_ =	shalt  }
0x48: {  	_ =	shalt  }
0x49: {  	_ =	shalt  }
0x4a: {  	_ =	shalt  }
0x4b: {  	_ =	shalt  }
0x4c: {  	_ =	shalt  }
0x4d: {  	_ =	shalt  }
0x4e: {  	_ =	shalt  }
0x4f: {  	_ =	shalt  }
0x50: {  	_ =	shalt  }
0x51: {  	_ =	shalt  }
0x52: {  	_ =	shalt  }
0x53: {  	_ =	shalt  }
0x54: {  	_ =	shalt  }
0x55: {  	_ =	shalt  }
0x56: {  	_ =	shalt  }
0x57: {  	_ =	shalt  }
0x58: {  	_ =	shalt  }
0x59: {  	_ =	shalt  }
0x5a: {  	_ =	shalt  }
0x5b: {  	_ =	shalt  }
0x5c: {  	_ =	shalt  }
0x5d: {  	_ =	shalt  }
0x5e: {  	_ =	shalt  }
0x5f: {  	_ =	shalt  }
0x60: {  	_ =	shalt  }
0x61: {  	_ =	shalt  }
0x62: {  	_ =	shalt  }
0x63: {  	_ =	shalt  }
0x64: {  	_ =	shalt  }
0x65: {  	_ =	shalt  }
0x66: {  	_ =	shalt  }
0x67: {  	_ =	shalt  }
0x68: {  	_ =	shalt  }
0x69: {  	_ =	shalt  }
0x6a: {  	_ =	shalt  }
0x6b: {  	_ =	shalt  }
0x6c: {  	_ =	shalt  }
0x6d: {  	_ =	shalt  }
0x6e: {  	_ =	shalt  }
0x6f: {  	_ =	shalt  }
0x70: {  	_ =	shalt  }
0x71: {  	_ =	shalt  }
0x72: {  	_ =	shalt  }
0x73: {  	_ =	shalt  }
0x74: {  	_ =	shalt  }
0x75: {  	_ =	shalt  }
0x76: {  	_ =	shalt  }
0x77: {  	_ =	shalt  }
0x78: {  	_ =	shalt  }
0x79: {  	_ =	shalt  }
0x7a: {  	_ =	shalt  }
0x7b: {  	_ =	shalt  }
0x7c: {  	_ =	shalt  }
0x7d: {  	_ =	shalt  }
0x7e: {  	_ =	shalt  }
0x7f: {  	_ =	shalt  }
0x80: {  	_ =	shalt  }
0x81: {  	_ =	shalt  }
0x82: {  	_ =	shalt  }
0x83: {  	_ =	shalt  }
0x84: {  	_ =	shalt  }
0x85: {  	_ =	shalt  }
0x86: {  	_ =	shalt  }
0x87: {  	_ =	shalt  }
.Lfunc_end0:
.L_simem_size_0:
called_computation_lowered:
.L_overlay_start_0:
0x88: {  	s0 =	sld [smem:$0x3FD9]  }
0x89: {  	s1 =	sld [smem:$0x3FFE];
	_ =	sdelay $0x3  }
0x8a: {  	s0 =	sadd.s32 s1, s0  }
0x8b: {  	[smem:$0x3FC5] =	sst s0  }
0x8c: {  	_ = 	snop  }
0x8d: {  	s0 =	sld [smem:$0x3FD0]  }
0x8e: {  	s14 =	sld [smem:$0x3FC9]  }
0x8f: {  	s2 =	sld [smem:$0x3FC8]  }
0x90: {  	s4 =	simm.s32 $0xA;
	s5 =	simm.s32 $0x10;
	s3 =	sld [smem:$0x3FC7]  }
0x91: {  	[smem:s5], [sflag:s4] =	dma.local [hbm:s0], $0x1  }
0x92: {  	_ =	swait.eq [sflag:s4], $0x1  }
0x93: {  	s15 =	sld [smem:$0x10];
	[sflag:s4] =	ssyncset.done $0x0  }
0x94: {  	s16 =	sld [smem:$0x11];
	[sflag:s4] =	ssyncadd.s32 $0xFFFFFFFF  }
0x95: {  	s17 =	sld [smem:$0x12];
	(tm) =	ssettm $0x1  }
0x96: {  	s6 =	sld [smem:$0x3FFB];
	_ =	sdelay $0x3  }
0x97: {  	_ =	strace s6  }
0x98: {  	s6 =	sld [smem:$0x3FFC];
	_ =	sdelay $0x3  }
0x99: {  	_ =	strace s6  }
0x9a: {  	s6 =	sld [smem:$0x3FFD];
	_ =	sdelay $0x3  }
0x9b: {  	_ =	strace s6  }
0x9c: {  	_ =	strace $0x8FFFFFFF  }
0x9d: {  	s18 =	sld [smem:$0x3FDB];
	_ =	sdelay $0x1  }
0x9e: {  	s7 =	simm.s32 $_scs_section_size  }
0x9f: {  	s8 =	simm.s32 $_size__tile_overlayer_lowered;
	s9 =	simm.s32 $_tile_overlayer_lowered  }
0xa0: {  	s21 =	simm.s32 $0x1BFF;
	s20 =	sshll.u32 s9, $0x1;
	s6 =	sadd.s32 s7, s18  }
0xa1: {  	s10 =	simm.s32 $0x0;
	s19 =	sshll.u32 s8, $0x1;
	s8 =	sadd.s32 s20, s6  }
0xa2: {  	[timem:s10], [sflag:s21] =	dma.local [hbm:s8], s19  }
0xa3: {  	_ =	swait.ge [sflag:s21], s19  }
0xa4: {  	s7 =	ssub.s32 $0x0, s19;
	[sflag:s21] =	ssyncset.done $0x0  }
0xa5: {  	[sflag:s21] =	ssyncadd.s32 s7;
	_ =	sdelay $0x1  }
0xa6: {  	s22 =	simm.s32 $0x1B8B  }
0xa7: {  	_ =	swait.ge [sflag:s22], $0x1  }
0xa8: {  	[sflag:s22] =	ssyncset.done $0x0  }
0xa9: {  	s23 =	simm.s32 $0x1B8E;
	[sflag:s22] =	ssyncadd.s32 $0xFFFFFFFF  }
0xaa: {  	s24 =	simm.s32 $execute0_lowered;
	[smem:$0x3FD2] =	sst s23  }
0xab: {  	s7 =	sshll.u32 s24, $0x1;
	_ =	strace $0x80000046;
	[dreg:$0x1] =	wrdreg $0xFFFFFFFF  }
0xac: {  	s25 =	simm.s32 $_size_execute0_lowered;
	s6 =	sadd.s32 s6, s7;
	[dreg:$0x0] =	wrdreg $0x0  }
0xad: {  	s7 =	sshll.u32 s25, $0x1;
	[dreg:$0x2] =	wrdreg s6  }
0xae: {  	[dreg:$0x3] =	wrdreg s7  }
0xaf: {  	[dreg:$0x4] =	wrdreg $0xC0  }
0xb0: {  	_ =	task [dreg:s10], $0x5FFFF  }
0xb1: {  	[dreg:$0x1] =	wrdreg $0xFFFFFFFF  }
0xb2: {  	[dreg:$0x0] =	wrdreg $0x60  }
0xb3: {  	[dreg:$0x2] =	wrdreg s14  }
0xb4: {  	[dreg:$0x3] =	wrdreg s2  }
0xb5: {  	[dreg:$0x4] =	wrdreg s3  }
0xb6: {  	[dreg:$0x5] =	wrdreg s15  }
0xb7: {  	[dreg:$0x6] =	wrdreg s16  }
0xb8: {  	[dreg:$0x7] =	wrdreg s17  }
0xb9: {  	[dreg:$0x8] =	wrdreg $0xC800  }
0xba: {  	[dreg:$0x9] =	wrdreg $0x9  }
0xbb: {  	_ =	task.clear_ibuf [dreg:s10], $0xAFFFF;
	_ =	strace $0x90000046  }
0xbc: {  	s26 =	simm.s32 $0x9;
	_ =	strace $0x80000048  }
0xbd: {  	_ =	swait.ge [sflag:s26], $0x1  }
0xbe: {  	[sflag:s26] =	ssyncadd.s32 $0xFFFFFFFF  }
0xbf: {  	_ =	strace $0x90000048  }
0xc0: {  	_ =	sfence  }
0xc1: {  	s28 =	sld [smem:$0x0];
	_ =	sdelay $0x1  }
0xc2: {  	s29 =	srdreg.scid  }
0xc3: {  	s30 =	sshll.u32 s29, $0xD;
	s31 =	sshrl.u32 s29, $0x2  }
0xc4: {  	s1 =	sand.u32 $0x1, s29;
	s2 =	sand.u32 $0x4000, s30;
	s0 =	sadd.s32 s31, s28  }
0xc5: {  	s1 =	sor.u32 s2, s1;
	s0 =	sshll.u32 s0, $0x11  }
0xc6: {  	s0 =	sor.u32 s0, s1  }
0xc7: {  	s0 =	sadd.s32 $0x8F2B, s0  }
0xc8: {  	[sflag:s0] =	ssyncadd.remote.s32 $0x1  }
0xc9: {  	_ =	sfence.sel $0xFFFF  }
0xca: {  	[dreg:$0x0] =	wrdreg $0xFFFFFFFF;
	(pc) =	sbr.abs _section_cstart, $3  }
0xcb: {  	[dreg:$0x1] =	wrdreg $0xFFFFFFFF  }
0xcc: {  	_ =	task.clear_ibuf [dreg:s10], $0x2FFFF;
	_ =	strace $0x9FFFFFFF  }
0xcd: {  	(tm) =	ssettm $0x7FFFFFFF  }
tec
execute0_lowered:
.L_overlay_start_1:
0x0: {  	(tag) =	ssettag $0x1  }
0x1: {  	s5 =	rddreg [dreg:$0x0]  }
0x2: {  	s4 =	rddreg [dreg:$0x1]  }
0x3: {  	s6 =	rddreg [dreg:$0x2]  }
0x4: {  	s3 =	rddreg [dreg:$0x3]  }
0x5: {  	s2 =	rddreg [dreg:$0x4]  }
0x6: {  	s1 =	rddreg [dreg:$0x5]  }
0x7: {  	s7 =	rddreg [dreg:$0x6];
	s9 =	simm.s32 $0x0;
	s8 =	stileid.u32  }
0x8: {  	[smem:$0x7FF] =	sst s9;
	s10 =	sshll.u32 s8, $0x7  }
0x9: {  	s0 =	rddreg [dreg:$0x7];
	_ =	strace $0x80000047;
	s11 =	sadd.s32 s6, s10  }
0xa: {  	[tilespmem:s9], [sflag:$0x1] =	stream.linear.gather [hbm4b:s11+s9], $0x400, $0x38;
	[tilespmem:$0x11250] =	vst v63  }
0xb: {  	s12 =	simm.s32 $0x400;
	s24 =	sadd.s32 s5, s10  }
0xc: {  	[tilespmem:s12], [sflag:$0x2] =	stream.linear.gather [hbm4b:s24+s9], $0x400, $0x38;
	[tilespmem:$0x11250] =	vst v63  }
0xd: {  	s25 =	simm.s32 $0x800;
	s26 =	simm.s32 $0x1;
	s10 =	sadd.s32 s4, s10  }
0xe: {  	[tilespmem:s25], [sflag:$0x3] =	stream.linear.gather [hbm4b:s10+s9], $0x400, $0x38;
	[tilespmem:$0x11250] =	vst v63  }
0xf: {  	_ =	swait.ge [sflag:s26], $0x400  }
0x10: {  	[sflag:s26] =	ssyncset.done $0x0  }
0x11: {  	s28 =	simm.s32 $0x2;
	[sflag:s26] =	ssyncadd.s32 $0xFFFFFC00  }
0x12: {  	_ =	swait.ge [sflag:s28], $0x400  }
0x13: {  	[sflag:s28] =	ssyncset.done $0x0  }
0x14: {  	s29 =	simm.s32 $0x3;
	[sflag:s28] =	ssyncadd.s32 $0xFFFFFC00  }
0x15: {  	_ =	swait.ge [sflag:s29], $0x400  }
0x16: {  	[sflag:s29] =	ssyncset.done $0x0  }
0x17: {  	s30 =	simm.s32 $0x0;
	[sflag:s29] =	ssyncadd.s32 $0xFFFFFC00  }
0x18: {  	v1 =	vld [tilespmem:s30+$0x830]  }
0x19: {  	v5 =	vld [tilespmem:s30+$0x420]  }
0x1a: {  	v6 =	vld [tilespmem:s30+$0x820]  }
0x1b: {  	v2 =	vld [tilespmem:s30+$0x30]  }
0x1c: {  	v3 =	vld [tilespmem:s30+$0x20]  }
0x1d: {  	v4 =	vld [tilespmem:s30+$0x10]  }
0x1e: {  	v7 =	vld [tilespmem:s30+$0x410]  }
0x1f: {  	v8 =	vld [tilespmem:s30+$0x0]  }
0x20: {  	v10 =	vld [tilespmem:s30+$0x400]  }
0x21: {  	v14 =	vld [tilespmem:s30+$0x430];
	_ =	sdelay $0x1  }
0x22: {  	v0 =	vimm.f32 $0.0e+00;
	v9 =	vadd.f32 $-1.000000000e+00, v5  }
0x23: {  	vm0 =	veq.f32 v2, $1.000000000e+00;
	v11 =	vadd.f32 $-1.000000000e+00, v6;
	vm1 =	veq.f32 v3, $1.000000000e+00  }
0x24: {  	vm10 =	veq.f32 v4, $1.000000000e+00;
	v4 =	vadd.f32 $-1.000000000e+00, v7;
	v19 =	vadd.f32 $-1.000000000e+00, v10  }
0x25: {  	vm11 =	veq.f32 v8, $1.000000000e+00;
	v21 =	vadd.f32 $-1.000000000e+00, v14;
	v23 =	vadd.f32 $-1.000000000e+00, v1  }
0x26: {  	v2 =	vld [tilespmem:s30+$0x810];
	v13 =	vsel vm0, $0x3F800000, v0;
	v12 =	vsel vm10, $0x3F800000, v0;
	v3 =	vmul.f32 v9, v9  }
0x27: {  	v9 =	vsub.f32 $1.000000000e+00, v13;
	v11 =	vmul.f32 v11, v11;
	v17 =	vsub.f32 $1.000000000e+00, v12  }
0x28: {  	v15 =	vsel vm1, $0x3F800000, v0;
	v4 =	vmul.f32 v4, v4;
	v19 =	vmul.f32 v19, v19  }
0x29: {  	v18 =	vsel vm11, $0x3F800000, v0;
	v16 =	vmul.f32 v9, v1;
	v7 =	vmul.f32 v17, v7  }
0x2a: {  	v22 =	vmul.f32 v3, v15;
	v1 =	vmul.f32 v9, v14;
	v14 =	vsub.f32 $1.000000000e+00, v15  }
0x2b: {  	v20 =	vld [tilespmem:s30+$0x800];
	v25 =	vmul.f32 v4, v12;
	v8 =	vadd.f32 $-1.000000000e+00, v2;
	v17 =	vmul.f32 v17, v2  }
0x2c: {  	s31 =	simm.s32 $0x40;
	v2 =	vadd.f32 v18, v0;
	v9 =	vmul.f32 v7, v7;
	v3 =	vmul.f32 v1, v1  }
0x2d: {  	v30 =	vld [tilespmem:s31+$0x0];
	v7 =	vsub.f32 $1.000000000e+00, v18;
	v6 =	vmul.f32 v14, v6;
	v5 =	vmul.f32 v14, v5  }
0x2e: {  	v8 =	vmul.f32 v8, v8;
	v24 =	vadd.f32 v12, v2;
	v2 =	vmul.f32 v16, v16  }
0x2f: {  	v4 =	vld [tilespmem:s31+$0x820];
	v16 =	vmul.f32 v19, v18;
	v17 =	vmul.f32 v17, v17  }
0x30: {  	v10 =	vmul.f32 v7, v10;
	v7 =	vmul.f32 v7, v20  }
0x31: {  	v1 =	vld [tilespmem:s31+$0x420];
	v19 =	vadd.f32 $-1.000000000e+00, v20;
	v20 =	vmul.f32 v23, v23;
	v28 =	vmul.f32 v5, v5  }
0x32: {  	vm15 =	veq.f32 v30, $1.000000000e+00;
	v29 =	vmul.f32 v6, v6;
	v26 =	vmul.f32 v8, v12  }
0x33: {  	v8 =	vadd.f32 v15, v24;
	v12 =	vld [tilespmem:s31+$0x30];
	v16 =	vadd.f32 v16, v0;
	v19 =	vmul.f32 v19, v19  }
0x34: {  	v15 =	vmul.f32 v11, v15;
	v23 =	vadd.f32 $-1.000000000e+00, v4;
	v24 =	vmul.f32 v10, v10;
	v10 =	vld [tilespmem:s31+$0x20]  }
0x35: {  	v7 =	vmul.f32 v7, v7;
	v27 =	vadd.f32 v13, v8;
	v8 =	vmul.f32 v21, v21;
	v21 =	vld [tilespmem:s31+$0x10]  }
0x36: {  	v16 =	vadd.f32 v25, v16;
	v11 =	vadd.f32 $-1.000000000e+00, v1;
	v6 =	vmul.f32 v23, v23  }
0x37: {  	v14 =	vld [tilespmem:s31+$0x410];
	v18 =	vmul.f32 v19, v18;
	v23 =	vadd.f32 v7, v0;
	v33 =	vadd.f32 v24, v0  }
0x38: {  	v25 =	vld [tilespmem:s31+$0x830];
	v8 =	vmul.f32 v8, v13;
	v31 =	vmul.f32 v11, v11;
	vm12 =	veq.f32 v12, $1.000000000e+00  }
0x39: {  	v34 =	vld [tilespmem:s31+$0x430];
	v17 =	vadd.f32 v17, v23;
	vm13 =	veq.f32 v10, $1.000000000e+00;
	v10 =	vadd.f32 v22, v16  }
0x3a: {  	v9 =	vadd.f32 v9, v33;
	v5 =	vsel vm12, $0x3F800000, v0;
	v22 =	vld [tilespmem:s31+$0x810];
	vm14 =	veq.f32 v21, $1.000000000e+00  }
0x3b: {  	v32 =	vsub.f32 $1.000000000e+00, v5;
	v11 =	vadd.f32 v8, v10;
	v10 =	vld [tilespmem:s31+$0x400];
	v16 =	vsel vm14, $0x3F800000, v0  }
0x3c: {  	v13 =	vmul.f32 v20, v13;
	v8 =	vadd.f32 $-1.000000000e+00, v14;
	v19 =	vsub.f32 $1.000000000e+00, v16  }
0x3d: {  	v7 =	vsel vm13, $0x3F800000, v0;
	v24 =	vadd.f32 v29, v17;
	v12 =	vmul.f32 v32, v25  }
0x3e: {  	v20 =	vmul.f32 v8, v8;
	v23 =	vmul.f32 v19, v14;
	v14 =	vadd.f32 v18, v0  }
0x3f: {  	v21 =	vadd.f32 $-1.000000000e+00, v22;
	v17 =	vmul.f32 v19, v22;
	v19 =	vadd.f32 $-1.000000000e+00, v34  }
0x40: {  	v8 =	vsel vm15, $0x3F800000, v0;
	v18 =	vadd.f32 $-1.000000000e+00, v10;
	v22 =	vadd.f32 v26, v14  }
0x41: {  	v27 =	vadd.f32 v8, v27;
	v21 =	vmul.f32 v21, v21;
	v14 =	vmul.f32 v31, v7  }
0x42: {  	v26 =	vmul.f32 v18, v18;
	v18 =	vadd.f32 $-1.000000000e+00, v25;
	v29 =	vadd.f32 v15, v22;
	v15 =	vld [tilespmem:s31+$0x800]  }
0x43: {  	v25 =	vadd.f32 v16, v27;
	v22 =	vmul.f32 v32, v34;
	v27 =	vadd.f32 v28, v9  }
0x44: {  	s9 =	simm.s32 $0x200;
	v9 =	vmul.f32 v23, v23;
	v23 =	vsub.f32 $1.000000000e+00, v7;
	v13 =	vadd.f32 v13, v29  }
.LBB2_1:
0x45: {  	s10 =	sshra.s32 s9, $0x2;
	p0 =	sne.s32 s9, $0xF00;
	s9 =	sadd.s32 $0x100, s9;
	v28 =	vsub.f32 $1.000000000e+00, v8;
	v24 =	vadd.f32 v2, v24;
	v2 =	vmul.f32 v12, v12  }
0x46: {  	v12 =	vmul.f32 v26, v8;
	v26 =	vadd.f32 v3, v27;
	v3 =	vmul.f32 v22, v22;
	v29 =	vld [tilespmem:s10+$0x830]  }
0x47: {  	v27 =	vadd.f32 $-1.000000000e+00, v15;
	v20 =	vmul.f32 v20, v16;
	v22 =	vld [tilespmem:s10+$0x420];
	v10 =	vmul.f32 v28, v10  }
0x48: {  	v30 =	vmul.f32 v21, v16;
	v21 =	vadd.f32 v7, v25;
	v16 =	vmul.f32 v23, v4;
	v4 =	vld [tilespmem:s10+$0x820]  }
0x49: {  	v11 =	vadd.f32 v12, v11;
	v27 =	vmul.f32 v27, v27;
	v25 =	vld [tilespmem:s10+$0x30];
	v12 =	vmul.f32 v10, v10  }
0x4a: {  	v19 =	vmul.f32 v19, v19;
	v15 =	vmul.f32 v28, v15;
	v28 =	vadd.f32 v5, v21;
	v31 =	vld [tilespmem:s10+$0x20]  }
0x4b: {  	v11 =	vadd.f32 v20, v11;
	v20 =	vmul.f32 v23, v1;
	v23 =	vmul.f32 v6, v7;
	v21 =	vld [tilespmem:s10+$0x410]  }
0x4c: {  	v17 =	vmul.f32 v17, v17;
	v18 =	vmul.f32 v18, v18;
	v10 =	vld [tilespmem:s10+$0x400];
	v6 =	vadd.f32 $-1.000000000e+00, v22;
	v1 =	vmovc v22  }
0x4d: {  	v19 =	vmul.f32 v19, v5;
	v32 =	vmul.f32 v20, v20;
	v22 =	vld [tilespmem:s10+$0x10];
	v7 =	vadd.f32 $-1.000000000e+00, v4  }
0x4e: {  	v33 =	vmul.f32 v16, v16;
	v20 =	vld [tilespmem:s10+$0x0];
	vm0 =	veq.f32 v25, $1.000000000e+00;
	v25 =	vmul.f32 v15, v15  }
0x4f: {  	v11 =	vadd.f32 v14, v11;
	v15 =	vld [tilespmem:s10+$0x800];
	vm1 =	veq.f32 v31, $1.000000000e+00;
	v31 =	vsel vm0, $0x3F800000, v0  }
0x50: {  	v34 =	vmul.f32 v6, v6;
	v6 =	vmul.f32 v7, v7;
	v14 =	vld [tilespmem:s10+$0x810];
	v24 =	vadd.f32 v25, v24  }
0x51: {  	v11 =	vadd.f32 v19, v11;
	v7 =	vsel vm1, $0x3F800000, v0;
	v35 =	vsub.f32 $1.000000000e+00, v31  }
0x52: {  	v19 =	vadd.f32 $-1.000000000e+00, v21;
	vm0 =	veq.f32 v22, $1.000000000e+00;
	v22 =	vadd.f32 v12, v26  }
0x53: {  	v25 =	vmul.f32 v27, v8;
	v12 =	vmul.f32 v35, v29;
	v16 =	vsel vm0, $0x3F800000, v0;
	v36 =	vld [tilespmem:s10+$0x430]  }
0x54: {  	v37 =	vmul.f32 v18, v5;
	v5 =	vmovc v31;
	vm0 =	veq.f32 v20, $1.000000000e+00;
	v26 =	vsub.f32 $1.000000000e+00, v16  }
0x55: {  	v17 =	vadd.f32 v17, v24;
	v20 =	vmul.f32 v19, v19;
	v18 =	vadd.f32 $-1.000000000e+00, v14  }
0x56: {  	v13 =	vadd.f32 v25, v13;
	v8 =	vsel vm0, $0x3F800000, v0;
	v31 =	vmul.f32 v26, v21  }
0x57: {  	v25 =	vadd.f32 $-1.000000000e+00, v10;
	v24 =	vadd.f32 v33, v17;
	v21 =	vmul.f32 v18, v18  }
.Ltmp0:
0x58: {  	v13 =	vadd.f32 v30, v13;
	v17 =	vmul.f32 v26, v14;
	v19 =	vadd.f32 $-1.000000000e+00, v36;
	(pc) =	sbr.rel @p0 .LBB2_1-.Ltmp0, $4  }
0x59: {  	v9 =	vadd.f32 v9, v22;
	v27 =	vadd.f32 v8, v28;
	v26 =	vmul.f32 v25, v25  }
0x5a: {  	v14 =	vmul.f32 v34, v7;
	v13 =	vadd.f32 v23, v13;
	v18 =	vadd.f32 $-1.000000000e+00, v29  }
0x5b: {  	v25 =	vadd.f32 v16, v27;
	v27 =	vadd.f32 v32, v9;
	v22 =	vmul.f32 v35, v36  }
0x5c: {  	v23 =	vsub.f32 $1.000000000e+00, v7;
	v9 =	vmul.f32 v31, v31;
	v13 =	vadd.f32 v37, v13  }
0x5d: {  	v48 =	vmul.f32 v26, v8;
	v20 =	vmul.f32 v20, v16  }
0x5e: {  	v49 =	vadd.f32 $-1.000000000e+00, v15;
	v50 =	vmul.f32 v21, v16;
	v19 =	vmul.f32 v19, v19  }
0x5f: {  	v0 =	vsub.f32 $1.000000000e+00, v8;
	v6 =	vmul.f32 v6, v7;
	v55 =	vmul.f32 v17, v17  }
0x60: {  	v2 =	vadd.f32 v2, v24;
	v56 =	vmul.f32 v18, v18;
	v52 =	vmul.f32 v49, v49  }
0x61: {  	v3 =	vadd.f32 v3, v27;
	v4 =	vmul.f32 v23, v4;
	v10 =	vmul.f32 v0, v10  }
0x62: {  	v51 =	vadd.f32 v7, v25;
	v0 =	vmul.f32 v0, v15;
	v54 =	vmul.f32 v52, v8  }
0x63: {  	v1 =	vmul.f32 v23, v1;
	v11 =	vadd.f32 v48, v11;
	v10 =	vmul.f32 v10, v10  }
0x64: {  	v53 =	vadd.f32 v5, v51;
	v0 =	vmul.f32 v0, v0;
	v8 =	vadd.f32 v54, v13  }
0x65: {  	v57 =	vmul.f32 v19, v5;
	v11 =	vadd.f32 v20, v11;
	v3 =	vadd.f32 v10, v3  }
0x66: {  	v60 =	vmul.f32 v56, v5;
	v0 =	vadd.f32 v0, v2;
	v58 =	vadd.f32 v50, v8  }
0x67: {  	v1 =	vmul.f32 v1, v1;
	v59 =	vadd.f32 v14, v11;
	v3 =	vadd.f32 v9, v3  }
0x68: {  	v4 =	vmul.f32 v4, v4;
	v0 =	vadd.f32 v55, v0;
	v2 =	vadd.f32 v6, v58  }
0x69: {  	v61 =	vmul.f32 v22, v22;
	v62 =	vadd.f32 v57, v59;
	v1 =	vadd.f32 v1, v3  }
0x6a: {  	v63 =	vmul.f32 v12, v12;
	[tilespmem:$0xC00] =	vst v53;
	v0 =	vadd.f32 v4, v0;
	v2 =	vadd.f32 v60, v2  }
0x6b: {  	s9 =	smul.u32 $0x140, s8;
	[tilespmem:$0xC10] =	vst v62;
	v1 =	vadd.f32 v61, v1  }
0x6c: {  	v0 =	vadd.f32 v63, v0;
	[tilespmem:$0xC20] =	vst v2  }
0x6d: {  	s9 =	sshrl.u32 s9, $0x2;
	[tilespmem:$0xC30] =	vst v1  }
0x6e: {  	s10 =	simm.s32 $0xC00;
	s9 =	sadd.s32 s9, s7;
	[tilespmem:$0xC40] =	vst v0  }
0x6f: {  	[spmem:s9] =	stream.linear.scatter [tilespmem:s10], [sflag:$0x4], $0x50, $0x38;
	[tilespmem:$0x11250] =	vst v63  }
0x70: {  	s9 =	simm.s32 $0x4  }
0x71: {  	_ =	swait.ge [sflag:s9], $0x50  }
0x72: {  	[sflag:s9] =	ssyncset.done $0x0  }
0x73: {  	[sflag:s9] =	ssyncadd.s32 $0xFFFFFFB0  }
0x74: {  	p0 =	sne.s32 s8, $0x0;
	[bflag:$0x0] =	sbarrier.arrive $0xFFFF  }
0x75: {  	_ =	sfence.sel @p0 $0x180000  }
0x76: {  	[bflag:$0x0] =	sbarrier.arrive @p0 $0xFFFF  }
0x77: {  	_ =	strace @p0 $0x90000047  }
0x78: {  	[bflag:$0x2] =	sbarrier.arrive @p0 $0xFFFF  }
0x79: {  	_ =	shalt @p0  }
.LBB2_3:
0x7a: {  	s8 =	simm.s32 $0xCD0  }
0x7b: {  	[tilespmem:s8], [sflag:$0x4] =	stream.linear.gather [spmem:s7], $0x500, $0x38;
	[tilespmem:$0x11250] =	vst v63  }
0x7c: {  	_ =	swait.ge [sflag:s9], $0x500  }
0x7d: {  	[sflag:s9] =	ssyncset.done $0x0  }
0x7e: {  	s31 =	simm.s32 $0x0;
	[sflag:s9] =	ssyncadd.s32 $0xFFFFFB00  }
0x7f: {  	v0 =	vld [tilespmem:s31+$0xCE0]  }
0x80: {  	v6 =	vld [tilespmem:s31+$0xCD0]  }
0x81: {  	v5 =	vld [tilespmem:s31+$0xCF0]  }
0x82: {  	v7 =	vimm.f32 $0.0e+00;
	v1 =	vld [tilespmem:s31+$0xD00]  }
0x83: {  	v8 =	vimm.f32 $0.0e+00;
	v3 =	vimm.f32 $0.0e+00;
	v4 =	vimm.f32 $0.0e+00;
	s7 =	simm.s32 $0x140;
	v2 =	vld [tilespmem:s31+$0xD10]  }
.LBB2_4:
0x84: {  	s8 =	sshra.s32 s7, $0x2;
	p0 =	sne.s32 s7, $0x12C0;
	s7 =	sadd.s32 $0x140, s7;
	v7 =	vadd.f32 v0, v7  }
.Ltmp1:
0x85: {  	v0 =	vld [tilespmem:s8+$0xCE0];
	v8 =	vadd.f32 v6, v8;
	(pc) =	sbr.rel @p0 .LBB2_4-.Ltmp1, $4  }
0x86: {  	v6 =	vld [tilespmem:s8+$0xCD0];
	v7 =	vadd.f32 v5, v7  }
0x87: {  	v5 =	vld [tilespmem:s8+$0xCF0];
	v3 =	vadd.f32 v1, v3  }
0x88: {  	v1 =	vld [tilespmem:s8+$0xD00];
	v4 =	vadd.f32 v2, v4  }
0x89: {  	v2 =	vld [tilespmem:s8+$0xD10]  }
0x8a: {  	_ = 	snop  }
0x8b: {  	v6 =	vadd.f32 v6, v8;
	_ =	sdelay $0x1  }
0x8c: {  	(xrf2) =	vadd.scan.msk.f32 $0xffff, v6;
	_ =	sdelay $0x3  }
0x8d: {  	v0 =	vadd.f32 v0, v7;
	_ =	sdelay $0x1  }
0x8e: {  	v0 =	vadd.f32 v5, v0;
	_ =	sdelay $0x3  }
0x8f: {  	(xrf2) =	vadd.scan.msk.f32 $0xffff, v0;
	v0, _, _ =	vpop (xrf2)  }
0x90: {  	(v2sf) =	vpush v0, $0xF;
	_ =	sdelay $0x8  }
0x91: {  	v0, _, _ =	vpop (xrf2)  }
0x92: {  	(v2sf) =	vpush v0, $0xF;
	_ =	sdelay $0x4  }
0x93: {  	s7 =	spop (v2sf)  }
0x94: {  	s8 =	scvt.f32.s32 s7;
	_ =	sdelay $0x1  }
0x95: {  	s9 =	smul.u32 $0x3, s8;
	_ =	sdelay $0x1  }
0x96: {  	p0 =	slt.s32 s9, $0x4000  }
.Ltmp2:
0x97: {  	_ = 	snop;
	(pc) =	sbr.rel @p0 .LBB2_7-.Ltmp2, $2  }
0x98: {  	_ =	sdelay $0x2  }
0x99: {  	v1 =	vadd.f32 v1, v3;
	v2 =	vadd.f32 v2, v4;
	s8 =	smax.f32 s7, $1.000000000e+00;
	s7 =	spop (v2sf)  }
0x9a: {  	_ = 	snop  }
0x9b: {  	(xrf2) =	vadd.scan.msk.f32 $0xffff, v1  }
0x9c: {  	(xrf2) =	vadd.scan.msk.f32 $0xffff, v2;
	_ =	sdelay $0x8  }
0x9d: {  	v1, _, _ =	vpop (xrf2)  }
0x9e: {  	(v2sf) =	vpush v1, $0xF;
	v1, _, _ =	vpop (xrf2)  }
0x9f: {  	(v2sf) =	vpush v1, $0xF;
	_ =	sdelay $0xb  }
.Ltmp3:
0xa0: {  	_ = 	snop;
	(pc) =	sbr.rel .LBB2_24-.Ltmp3, $4  }
0xa1: {  	_ = 	snop  }
0xa2: {  	s4 =	spop (v2sf)  }
0xa3: {  	s5 =	spop (v2sf)  }
0xa4: {  	s4 =	sadd.f32 s5, s4  }
.LBB2_7:
0xa5: {  	s10 =	simm.s32 $0x0;
	s11 =	simm.s32 $0x11D0;
	s29 =	simm.s32 $0x4  }
0xa6: {  	[tilespmem:s11], [sflag:$0x4] =	stream.linear.gather [hbm4b:s6+s10], $0x4000, $0x38;
	[tilespmem:$0x11250] =	vst v63  }
0xa7: {  	_ =	swait.ge [sflag:s29], $0x4000  }
0xa8: {  	[sflag:s29] =	ssyncset.done $0x0  }
0xa9: {  	s30 =	simm.s32 $0x51D0;
	[sflag:s29] =	ssyncadd.s32 $0xFFFFC000  }
0xaa: {  	[tilespmem:s30], [sflag:$0x4] =	stream.linear.gather [hbm4b:s5+s10], $0x4000, $0x38;
	[tilespmem:$0x11250] =	vst v63  }
0xab: {  	_ =	swait.ge [sflag:s29], $0x4000  }
0xac: {  	[sflag:s29] =	ssyncset.done $0x0  }
0xad: {  	s31 =	simm.s32 $0x91D0;
	[sflag:s29] =	ssyncadd.s32 $0xFFFFC000  }
0xae: {  	[tilespmem:s31], [sflag:$0x4] =	stream.linear.gather [hbm4b:s4+s10], $0x4000, $0x38;
	[tilespmem:$0x11250] =	vst v63  }
0xaf: {  	_ =	swait.ge [sflag:s29], $0x4000  }
0xb0: {  	[sflag:s29] =	ssyncset.done $0x0  }
0xb1: {  	s4 =	simm.s32 $0x0;
	[sflag:s29] =	ssyncadd.s32 $0xFFFFC000  }
0xb2: {  	v2 =	vld [tilespmem:s4+$0x11D0];
	_ =	sdelay $0x1  }
0xb3: {  	v3 =	vld [tilespmem:s4+$0x51D0];
	_ =	sdelay $0x2  }
0xb4: {  	v1 =	vimm.f32 $1.000000000e+00;
	vm0 =	veq.f32 v2, $1.000000000e+00  }
0xb5: {  	s5 =	simm.s32 $0x10;
	v2 =	vsel vm0, $0x0, v1  }
0xb6: {  	v4 =	vmul.f32 v2, v3;
	v2 =	vld [tilespmem:s5+$0x11D0];
	_ =	sdelay $0x1  }
0xb7: {  	v3 =	vld [tilespmem:s5+$0x51D0]  }
0xb8: {  	v5 =	vxor.u32 $0x7FFFFFFF, v4;
	vm15 =	vlt.s32 v4, $0x0  }
0xb9: {  	s9 =	simm.s32 @!p0 $0x4000;
	s6 =	simm.s32 $0x80;
	v4 =	vsel vm15, v5, v4  }
.LBB2_8:
0xba: {  	s11 =	sshra.s32 s6, $0x2;
	p0 =	sne.s32 s6, $0xFFC0;
	s6 =	sadd.s32 $0x40, s6;
	vm0 =	veq.f32 v2, $1.000000000e+00;
	[tilespmem:s4+$0xD1D0] =	vst v4  }
.Ltmp4:
0xbb: {  	s4 =	smov.u32 s5;
	v2 =	vld [tilespmem:s11+$0x11D0];
	v4 =	vsel vm0, $0x0, v1;
	s5 =	smov.u32 s11;
	(pc) =	sbr.rel @p0 .LBB2_8-.Ltmp4, $4  }
0xbc: {  	v4 =	vmul.f32 v4, v3  }
0xbd: {  	v3 =	vld [tilespmem:s5+$0x51D0]  }
0xbe: {  	v5 =	vxor.u32 $0x7FFFFFFF, v4;
	vm0 =	vlt.s32 v4, $0x0  }
0xbf: {  	v4 =	vsel vm0, v5, v4  }
0xc0: {  	vm0 =	veq.f32 v2, $1.000000000e+00  }
0xc1: {  	v1 =	vsel vm0, $0x0, v1  }
0xc2: {  	v1 =	vmul.f32 v1, v3;
	_ =	sdelay $0x1  }
0xc3: {  	v2 =	vxor.u32 $0x7FFFFFFF, v1;
	vm15 =	vlt.s32 v1, $0x0  }
0xc4: {  	[tilespmem:s4+$0xD1D0] =	vst v4;
	v1 =	vsel vm15, v2, v1  }
0xc5: {  	s4 =	simm.s32 $0x80000000;
	[tilespmem:s5+$0xD1D0] =	vst v1;
	v1 =	vimm.s32 $0x0;
	s5 =	simm.s32 $0x0  }
.LBB2_10:
0xc6: {  	s6 =	sshrl.u32 s4, s5  }
0xc7: {  	s12 =	simm.s32 $0x0;
	s6 =	sor.u32 s6, s10  }
0xc8: {  	v4 =	vld [tilespmem:s12+$0xD1D0];
	s11 =	sxor.u32 $0x80000000, s6  }
0xc9: {  	v3 =	vimm.s32 $0x0;
	v2 =	vmov s11;
	s11 =	simm.s32 $0x40  }
.LBB2_11:
0xca: {  	p0 =	sne.s32 s11, $0xFFC0  }
.Ltmp5:
0xcb: {  	_ = 	snop;
	(pc) =	sbr.rel @p0 .LBB2_11-.Ltmp5, $4  }
0xcc: {  	_ = 	snop  }
0xcd: {  	s12 =	sshra.s32 s11, $0x2;
	s11 =	sadd.s32 $0x40, s11;
	vm0 =	vge.s32 v4, v2  }
0xce: {  	v4 =	vld [tilespmem:s12+$0xD1D0];
	v5 =	vsel vm0, $0x1, v1  }
0xcf: {  	v3 =	vadd.s32 v5, v3  }
0xd0: {  	_ =	sdelay $0x2  }
0xd1: {  	vm0 =	vge.s32 v4, v2  }
0xd2: {  	v2 =	vsel vm0, $0x1, v1  }
0xd3: {  	v2 =	vadd.s32 v2, v3  }
0xd4: {  	(xrf0) =	vadd.scan.msk.s32 $0xffff, v2;
	_ =	sdelay $0x5  }
0xd5: {  	v2, _, _ =	vpop (xrf0)  }
0xd6: {  	(v2sf) =	vpush v2, $0xF;
	_ =	sdelay $0xe  }
0xd7: {  	s11 =	spop (v2sf)  }
0xd8: {  	s5 =	sadd.s32 $0x1, s5;
	p0 =	slt.s32 s11, s9  }
0xd9: {  	s6 =	smov.u32 @p0 s10;
	p0 =	sne.s32 s5, $0x20  }
.Ltmp6:
0xda: {  	_ = 	snop;
	(pc) =	sbr.rel @p0 .LBB2_10-.Ltmp6, $2  }
0xdb: {  	_ =	sdelay $0x2  }
0xdc: {  	s10 =	smov.u32 s6  }
0xdd: {  	s4 =	sxor.u32 $0x80000000, s6  }
0xde: {  	v1 =	vmov s4;
	s4 =	simm.s32 $0x0  }
0xdf: {  	v6 =	vld [tilespmem:s4+$0xD1D0];
	_ =	sdelay $0x3  }
0xe0: {  	v5 =	vimm.s32 $0x0;
	v3 =	vimm.f32 $0.0e+00;
	s5 =	simm.s32 $0x40;
	v2 =	vimm.s32 $0x0  }
.LBB2_14:
0xe1: {  	s6 =	sshra.s32 s5, $0x2;
	p0 =	sne.s32 s5, $0xFFC0;
	s5 =	sadd.s32 $0x40, s5;
	v4 =	vxor.u32 $0x7FFFFFFF, v6;
	vm0 =	vlt.s32 v6, $0x0;
	v7 =	vmov v6  }
.Ltmp7:
0xe2: {  	v6 =	vld [tilespmem:s6+$0xD1D0];
	v4 =	vsel vm0, v4, v7;
	(pc) =	sbr.rel @p0 .LBB2_14-.Ltmp7, $4  }
0xe3: {  	v4 =	vmul.f32 v4, v4  }
0xe4: {  	vm0 =	vgt.s32 v7, v1  }
0xe5: {  	v7 =	vsel vm0, $0x1, v5;
	v4 =	vnsel vm0, $0x0, v4  }
0xe6: {  	v2 =	vadd.s32 v7, v2;
	v3 =	vadd.f32 v4, v3  }
0xe7: {  	v7 =	vld [tilespmem:s4+$0x11D0];
	_ =	sdelay $0x1  }
0xe8: {  	v8 =	vld [tilespmem:s4+$0x91D0];
	_ =	sdelay $0x1  }
0xe9: {  	v9 =	vxor.u32 $0x7FFFFFFF, v6;
	vm0 =	vlt.s32 v6, $0x0  }
0xea: {  	v4 =	vimm.f32 $1.000000000e+00;
	vm14 =	vgt.s32 v6, v1;
	s5 =	simm.s32 $0x10;
	vm1 =	veq.f32 v7, $1.000000000e+00  }
0xeb: {  	v7 =	vsel vm0, v9, v6;
	v6 =	vsel vm14, $0x1, v5;
	v5 =	vld [tilespmem:s5+$0x11D0];
	v63 =	vsel vm1, $0x0, v4  }
0xec: {  	v7 =	vmul.f32 v7, v7;
	v8 =	vmul.f32 v63, v8  }
0xed: {  	v2 =	vadd.s32 v6, v2;
	v6 =	vld [tilespmem:s5+$0x91D0]  }
0xee: {  	v7 =	vnsel vm14, $0x0, v7;
	v9 =	vxor.u32 $0x7FFFFFFF, v8;
	vm15 =	vlt.s32 v8, $0x0  }
0xef: {  	s6 =	simm.s32 $0x80;
	v3 =	vadd.f32 v7, v3;
	v7 =	vsel vm15, v9, v8  }
.LBB2_16:
0xf0: {  	s10 =	sshra.s32 s6, $0x2;
	p0 =	sne.s32 s6, $0xFFC0;
	s6 =	sadd.s32 $0x40, s6;
	vm0 =	veq.f32 v5, $1.000000000e+00;
	[tilespmem:s4+$0xD1D0] =	vst v7  }
.Ltmp8:
0xf1: {  	s4 =	smov.u32 s5;
	v5 =	vld [tilespmem:s10+$0x11D0];
	v7 =	vsel vm0, $0x0, v4;
	s5 =	smov.u32 s10;
	(pc) =	sbr.rel @p0 .LBB2_16-.Ltmp8, $4  }
0xf2: {  	v7 =	vmul.f32 v7, v6  }
0xf3: {  	v6 =	vld [tilespmem:s5+$0x91D0]  }
0xf4: {  	v8 =	vxor.u32 $0x7FFFFFFF, v7;
	vm0 =	vlt.s32 v7, $0x0  }
0xf5: {  	v7 =	vsel vm0, v8, v7  }
0xf6: {  	vm0 =	veq.f32 v5, $1.000000000e+00  }
0xf7: {  	v4 =	vsel vm0, $0x0, v4  }
0xf8: {  	v4 =	vmul.f32 v4, v6;
	_ =	sdelay $0x1  }
0xf9: {  	v5 =	vxor.u32 $0x7FFFFFFF, v4;
	vm15 =	vlt.s32 v4, $0x0  }
0xfa: {  	[tilespmem:s4+$0xD1D0] =	vst v7;
	v4 =	vsel vm15, v5, v4  }
0xfb: {  	s4 =	simm.s32 $0x80000000;
	s6 =	simm.s32 $0x0;
	[tilespmem:s5+$0xD1D0] =	vst v4;
	s5 =	simm.s32 $0x0;
	v4 =	vimm.s32 $0x0  }
.LBB2_18:
0xfc: {  	s10 =	sshrl.u32 s4, s6  }
0xfd: {  	s12 =	simm.s32 $0x0;
	s10 =	sor.u32 s10, s5  }
0xfe: {  	v7 =	vld [tilespmem:s12+$0xD1D0];
	s11 =	sxor.u32 $0x80000000, s10  }
0xff: {  	v6 =	vimm.s32 $0x0;
	v5 =	vmov s11;
	s11 =	simm.s32 $0x40  }
.LBB2_19:
0x100: {  	p0 =	sne.s32 s11, $0xFFC0  }
.Ltmp9:
0x101: {  	_ = 	snop;
	(pc) =	sbr.rel @p0 .LBB2_19-.Ltmp9, $4  }
0x102: {  	_ = 	snop  }
0x103: {  	s12 =	sshra.s32 s11, $0x2;
	s11 =	sadd.s32 $0x40, s11;
	vm0 =	vge.s32 v7, v5  }
0x104: {  	v7 =	vld [tilespmem:s12+$0xD1D0];
	v8 =	vsel vm0, $0x1, v4  }
0x105: {  	v6 =	vadd.s32 v8, v6  }
0x106: {  	_ =	sdelay $0x2  }
0x107: {  	vm0 =	vge.s32 v7, v5  }
0x108: {  	v5 =	vsel vm0, $0x1, v4  }
0x109: {  	v5 =	vadd.s32 v5, v6  }
0x10a: {  	(xrf0) =	vadd.scan.msk.s32 $0xffff, v5;
	_ =	sdelay $0x5  }
0x10b: {  	v5, _, _ =	vpop (xrf0)  }
0x10c: {  	(v2sf) =	vpush v5, $0xF;
	_ =	sdelay $0xe  }
0x10d: {  	s11 =	spop (v2sf)  }
0x10e: {  	s6 =	sadd.s32 $0x1, s6;
	p0 =	slt.s32 s11, s9  }
0x10f: {  	s10 =	smov.u32 @p0 s5;
	p0 =	sne.s32 s6, $0x20  }
.Ltmp10:
0x110: {  	_ = 	snop;
	(pc) =	sbr.rel @p0 .LBB2_18-.Ltmp10, $2  }
0x111: {  	_ =	sdelay $0x2  }
0x112: {  	s5 =	smov.u32 s10  }
0x113: {  	s5 =	simm.s32 $0x0  }
0x114: {  	v8 =	vld [tilespmem:s5+$0xD1D0];
	_ =	sdelay $0x2  }
0x115: {  	s4 =	sxor.u32 $0x80000000, s10;
	v5 =	vimm.s32 $0x0  }
0x116: {  	v7 =	vimm.f32 $0.0e+00;
	v6 =	vimm.s32 $0x0;
	v4 =	vmov s4;
	s4 =	simm.s32 $0x40  }
.LBB2_22:
0x117: {  	s5 =	sshra.s32 s4, $0x2;
	p0 =	sne.s32 s4, $0xFFC0;
	s4 =	sadd.s32 $0x40, s4;
	v9 =	vxor.u32 $0x7FFFFFFF, v8;
	vm0 =	vlt.s32 v8, $0x0;
	v10 =	vmov v8  }
.Ltmp11:
0x118: {  	v8 =	vld [tilespmem:s5+$0xD1D0];
	v9 =	vsel vm0, v9, v10;
	(pc) =	sbr.rel @p0 .LBB2_22-.Ltmp11, $4  }
0x119: {  	v9 =	vmul.f32 v9, v9  }
0x11a: {  	vm0 =	vgt.s32 v10, v4  }
0x11b: {  	v10 =	vsel vm0, $0x1, v5;
	v9 =	vnsel vm0, $0x0, v9  }
0x11c: {  	v6 =	vadd.s32 v10, v6;
	v7 =	vadd.f32 v9, v7  }
0x11d: {  	v9 =	vxor.u32 $0x7FFFFFFF, v8;
	vm0 =	vlt.s32 v8, $0x0  }
0x11e: {  	v9 =	vsel vm0, v9, v8  }
0x11f: {  	v63 =	vxor.u32 $0x7FFFFFFF, v1;
	vm1 =	vlt.s32 v1, $0x0;
	v9 =	vmul.f32 v9, v9  }
0x120: {  	vm14 =	vgt.s32 v8, v4;
	(xrf2) =	vadd.scan.msk.f32 $0xffff, v3;
	v1 =	vsel vm1, v63, v1  }
0x121: {  	v1 =	vmul.f32 v1, v1;
	v3 =	vnsel vm14, $0x0, v9  }
0x122: {  	(xrf0) =	vadd.scan.msk.s32 $0xffff, v2;
	v3 =	vadd.f32 v3, v7  }
0x123: {  	(xrf0) =	vmax.scan.msk.f32 $0xffff, v1  }
0x124: {  	vm15 =	vlt.s32 v4, $0x0;
	v2 =	vsel vm14, $0x1, v5;
	v1 =	vxor.u32 $0x7FFFFFFF, v4;
	(xrf2) =	vadd.scan.msk.f32 $0xffff, v3  }
0x125: {  	v2 =	vadd.s32 v2, v6;
	v1 =	vsel vm15, v1, v4  }
0x126: {  	(xrf0) =	vadd.scan.msk.s32 $0xffff, v2;
	v1 =	vmul.f32 v1, v1;
	_ =	sdelay $0x2  }
0x127: {  	v2, _, _ =	vpop (xrf0);
	(xrf0) =	vmax.scan.msk.f32 $0xffff, v1  }
0x128: {  	(v2sf) =	vpush v2, $0xF;
	v1, _, _ =	vpop (xrf2)  }
0x129: {  	v2, _, _ =	vpop (xrf0);
	(v2sf) =	vpush v1, $0xF  }
0x12a: {  	v1, _, _ =	vpop (xrf0);
	(v2sf) =	vpush v2, $0xF  }
0x12b: {  	(v2sf) =	vpush v1, $0xF  }
0x12c: {  	v1, _, _ =	vpop (xrf2)  }
0x12d: {  	(v2sf) =	vpush v1, $0xF;
	v1, _, _ =	vpop (xrf0)  }
0x12e: {  	(v2sf) =	vpush v1, $0xF;
	_ =	sdelay $0x8  }
0x12f: {  	s4 =	spop (v2sf)  }
0x130: {  	s5 =	spop (v2sf)  }
0x131: {  	s6 =	spop (v2sf)  }
0x132: {  	s4 =	ssub.s32 s9, s4;
	s10 =	spop (v2sf)  }
0x133: {  	s11 =	scvt.s32.f32 s4;
	s29 =	ssub.s32 s9, s10  }
0x134: {  	s12 =	scvt.s32.f32 s29;
	s30 =	spop (v2sf)  }
0x135: {  	s6 =	smul.f32 s11, s6;
	s31 =	spop (v2sf)  }
0x136: {  	p0 =	sgt.s32 s4, $0x0;
	s4 =	smul.f32 s12, s31  }
0x137: {  	s6 =	simm.s32 @!p0 $0x0;
	p0 =	sgt.s32 s29, $0x0  }
0x138: {  	s5 =	sadd.f32 s6, s5;
	s4 =	simm.s32 @!p0 $0x0  }
0x139: {  	s4 =	sadd.f32 s4, s30;
	_ =	sdelay $0x1  }
0x13a: {  	s4 =	sadd.f32 s4, s5  }
.LBB2_24:
0x13b: {  	v1 =	vmov s8  }
0x13c: {  	(erf) = vrcp.f32 v1;
	_ =	sdelay $0x3  }
0x13d: {  	v0 =	vbroadcast v0, $0xF  }
0x13e: {  	vm0 =	vcmask $0x2320;
	v62 =	vlaneseq.u32;
	s5 =	sadd.f32 s4, s7  }
0x13f: {  	vm14 =	veq.s32 v62, $0x0;
	v0 =	vnsel vm0, $0x0, v0  }
0x140: {  	vm15 =	vcmask $0x300;
	v63 =	vmov s4;
	v0 =	vsel vm14, s5, v0  }
0x141: {  	v1 =	vnsel vm15, $0x0, v63;
	v0 =	vmul.f32 $5.000000000e-01, v0  }
0x142: {  	v1 =	vmul.f32 $5.000000000e-01, v1;
	v2 =	vpop (erf)  }
0x143: {  	v0 =	vmul.f32 v0, v2  }
0x144: {  	v1 =	vmul.f32 v1, v2  }
0x145: {  	[tilespmem:$0x111D0] =	vst v0  }
0x146: {  	s26 =	simm.s32 $0x0;
	s28 =	simm.s32 $0x111D0;
	s29 =	simm.s32 $0x4;
	[tilespmem:$0x111E0] =	vst v1  }
0x147: {  	[hbm4b:s3+s26] =	stream.linear.scatter [tilespmem:s28], [sflag:$0x4], $0x1, $0x38;
	[tilespmem:$0x11250] =	vst v63  }
0x148: {  	_ =	swait.ge [sflag:s29], $0x1  }
0x149: {  	[sflag:s29] =	ssyncset.done $0x0  }
0x14a: {  	s30 =	simm.s32 $0x111D8;
	[sflag:s29] =	ssyncadd.s32 $0xFFFFFFFF  }
0x14b: {  	[hbm4b:s2+s26] =	stream.linear.scatter [tilespmem:s30], [sflag:$0x4], $0x1, $0x38;
	[tilespmem:$0x11250] =	vst v63  }
0x14c: {  	_ =	swait.ge [sflag:s29], $0x1  }
0x14d: {  	[sflag:s29] =	ssyncset.done $0x0  }
0x14e: {  	s31 =	simm.s32 $0x111E0;
	[sflag:s29] =	ssyncadd.s32 $0xFFFFFFFF  }
0x14f: {  	[hbm4b:s1+s26] =	stream.linear.scatter [tilespmem:s31], [sflag:$0x4], $0x1, $0x38;
	[tilespmem:$0x11250] =	vst v63  }
0x150: {  	_ =	swait.ge [sflag:s29], $0x1  }
0x151: {  	[sflag:s29] =	ssyncset.done $0x0  }
0x152: {  	[sflag:s29] =	ssyncadd.s32 $0xFFFFFFFF  }
0x153: {  	_ =	sfence.sel $0x180000  }
0x154: {  	[bflag:$0x0] =	sbarrier.arrive $0xFFFF  }
0x155: {  	_ =	strace $0x90000047  }
0x156: {  	s0 =	sadd.s32 $0x100000, s0;
	[bflag:$0x2] =	sbarrier.arrive $0xFFFF  }
0x157: {  	[sflag:s0] =	ssyncadd.tile.s32 $0x1;
	_ =	shalt  }
.Lfunc_end2:
_tile_overlayer_lowered:
.L_overlay_start_2:
0x158: {  	(tag) =	ssettag $0x2  }
0x159: {  	s0 =	rddreg [dreg:$0x0];
	s2 =	stileid.u32  }
0x15a: {  	s1 =	rddreg [dreg:$0x1];
	p0 =	sne.s32 s2, $0x0  }
0x15b: {  	s3 =	rddreg [dreg:$0x2];
	[bflag:$0x3] =	sbarrier.arrive $0xFFFF;
	s2 =	simm.s32 @!p0 $0x1C04  }
0x15c: {  	[timem:s3], [sflag:s2] =	dma.local @!p0 [hbm:s0], s1  }
0x15d: {  	s0 =	simm.s32 @!p0 $0x4  }
0x15e: {  	_ =	swait.ge @!p0 [sflag:s0], s1  }
0x15f: {  	s1 =	ssub.s32 @!p0 $0x0, s1;
	[sflag:s0] =	ssyncset.done @!p0 $0x0  }
0x160: {  	[sflag:s0] =	ssyncadd.s32 @!p0 s1  }
0x161: {  	[bflag:$0x3] =	sbarrier.arrive $0xFFFF  }
0x162: {  	_ =	shalt  }

</sc_bundles>
